<compile_context>
chip_gen: v7x
topology: tpu7x:2x2x1
jax: 0.10.2.dev20260603
libtpu: 0.0.44.dev20260713+nightly
codegen_flags: <defaults>
</compile_context>

<pallas_src>
import functools

import jax
import jax.numpy as jnp
from jax import lax
from jax.experimental import pallas as pl
from jax.experimental.pallas import tpu as pltpu
from jax.experimental.pallas import tpu_sc as plsc

N = 10000
E = 320000
D = 128
NP = 10240
NC = 2
NS = 16
NW = NC * NS
CH = 128
K = 80
EPAD = NW * K * CH
ROWS_PER_TILE = NP // NS

_mesh = plsc.VectorSubcoreMesh(core_axis_name="c", subcore_axis_name="s")


@functools.partial(
    pl.kernel,
    out_type=jax.ShapeDtypeStruct((NC, NP), jnp.float32),
    mesh=_mesh,
    scratch_types=[
        pltpu.VMEM((K, CH), jnp.int32),
        pltpu.VMEM((CH,), jnp.float32),
        pltpu.VMEM_SHARED((NP,), jnp.float32),
        pltpu.SemaphoreType.DMA,
    ],
)
def _deg_scatter(dst_hbm, zeros1_hbm, out_hbm, dst_v, ones_v, dacc, sem):
    cid = lax.axis_index("c")
    sid = lax.axis_index("s")
    wid = sid * NC + cid
    ez = sid * ROWS_PER_TILE
    pltpu.sync_copy(zeros1_hbm.at[pl.ds(ez, ROWS_PER_TILE)],
                    dacc.at[pl.ds(ez, ROWS_PER_TILE)])
    pltpu.sync_copy(dst_hbm.at[pl.ds(wid * K, K)], dst_v)
    for l in range(CH // 16):
        ones_v[pl.ds(l * 16, 16)] = jnp.ones((16,), jnp.float32)
    plsc.subcore_barrier()

    def body(j, carry):
        pltpu.async_copy(ones_v, dacc.at[dst_v.at[j]], sem, add=True).wait()
        return carry

    lax.fori_loop(0, K, body, 0)
    plsc.subcore_barrier()
    pltpu.sync_copy(dacc.at[pl.ds(ez, ROWS_PER_TILE)],
                    out_hbm.at[cid, pl.ds(ez, ROWS_PER_TILE)])


G = 8

KT = 2 * K
KA = 128
KB = KT - KA


@functools.partial(
    pl.kernel,
    out_type=jax.ShapeDtypeStruct((NC, NP, D), jnp.float32),
    mesh=_mesh,
    scratch_types=[
        pltpu.VMEM((G, CH), jnp.int32),
        pltpu.VMEM((G, CH), jnp.int32),
        pltpu.VMEM((CH, D), jnp.float32),
        pltpu.VMEM((CH, D), jnp.float32),
        pltpu.VMEM_SHARED((NP, D), jnp.float32),
        pltpu.SemaphoreType.DMA,
        pltpu.SemaphoreType.DMA,
        pltpu.SemaphoreType.DMA,
        pltpu.SemaphoreType.DMA,
        pltpu.SemaphoreType.DMA,
    ],
)
def _edge_scatter(src_hbm, dst_hbm, g_hbm, zeros2_hbm, out_hbm,
                  src_v, dst_v, rows0, rows1, acc,
                  sem_g0, sem_g1, sem_s0, sem_s1, sem_z):
    cid = lax.axis_index("c")
    sid = lax.axis_index("s")
    rz = sid * ROWS_PER_TILE
    base_chunk = sid * KT + cid * KA
    ngroups = lax.select(cid == 0, KA // G, KB // G)

    def start_g(j, buf, sem):
        pltpu.async_copy(g_hbm.at[src_v.at[j]], buf, sem)

    def wait_g(buf, sem):
        pltpu.make_async_copy(g_hbm.at[src_v.at[0]], buf, sem).wait()

    def start_s(j, buf, sem):
        pltpu.async_copy(buf, acc.at[dst_v.at[j]], sem, add=True)

    def wait_s(buf, sem):
        pltpu.make_async_copy(buf, acc.at[dst_v.at[0]], sem).wait()

    pltpu.async_copy(zeros2_hbm.at[pl.ds(rz, ROWS_PER_TILE)],
                     acc.at[pl.ds(rz, ROWS_PER_TILE)], sem_z)
    pltpu.make_async_copy(zeros2_hbm.at[pl.ds(rz, ROWS_PER_TILE)],
                          acc.at[pl.ds(rz, ROWS_PER_TILE)], sem_z).wait()
    plsc.subcore_barrier()

    def group(g, carry):
        base = base_chunk + g * G
        pltpu.sync_copy(src_hbm.at[pl.ds(base, G)], src_v)
        pltpu.sync_copy(dst_hbm.at[pl.ds(base, G)], dst_v)
        start_g(0, rows0, sem_g0)

        M = G // 2

        def body(m, c2):
            j0 = 2 * m
            start_g(j0 + 1, rows1, sem_g1)
            wait_g(rows0, sem_g0)
            start_s(j0, rows0, sem_s0)
            wait_s(rows0, sem_s0)

            @pl.when(m + 1 < M)
            def _():
                start_g(j0 + 2, rows0, sem_g0)

            wait_g(rows1, sem_g1)
            start_s(j0 + 1, rows1, sem_s1)
            wait_s(rows1, sem_s1)
            return c2

        lax.fori_loop(0, M, body, 0)
        return carry

    lax.fori_loop(0, ngroups, group, 0)
    plsc.subcore_barrier()
    pltpu.sync_copy(acc.at[pl.ds(rz, ROWS_PER_TILE)],
                    out_hbm.at[cid, pl.ds(rz, ROWS_PER_TILE), :])


def _phase1_body(x_ref, w_ref, d0_ref, d1_ref, g_ref, dinv_ref):
    dinv = lax.rsqrt(d0_ref[...] + d1_ref[...] + 1.0)
    h = jnp.dot(x_ref[...], w_ref[...], preferred_element_type=jnp.float32)
    g_ref[...] = h * dinv
    dinv_ref[...] = dinv


def _phase2_body(s0_ref, s1_ref, g_ref, dinv_ref, b_ref, w_ref, g2_ref):
    dinv = dinv_ref[...]
    x2 = jnp.maximum(
        dinv * (s0_ref[...] + s1_ref[...] + g_ref[...]) + b_ref[...], 0.0)
    g2_ref[...] = jnp.dot(
        x2, w_ref[...], preferred_element_type=jnp.float32) * dinv


def _phase3_body(t0_ref, t1_ref, g2_ref, dinv_ref, b_ref, wfc_ref, bfc_ref,
                 emb_ref, out_ref):
    emb = jnp.maximum(
        dinv_ref[...] * (t0_ref[...] + t1_ref[...] + g2_ref[...])
        + b_ref[...], 0.0)
    emb_ref[...] = emb
    out_ref[...] = jnp.dot(
        emb, wfc_ref[...], preferred_element_type=jnp.float32) + bfc_ref[...]


_phase1 = pl.pallas_call(
    _phase1_body,
    out_shape=(jax.ShapeDtypeStruct((NP, D), jnp.float32),
               jax.ShapeDtypeStruct((NP, 1), jnp.float32)),
)

_phase2 = pl.pallas_call(
    _phase2_body,
    out_shape=jax.ShapeDtypeStruct((NP, D), jnp.float32),
)

_phase3 = pl.pallas_call(
    _phase3_body,
    out_shape=(jax.ShapeDtypeStruct((NP, D), jnp.float32),
               jax.ShapeDtypeStruct((NP, D), jnp.float32)),
)


def kernel(x, edge_index, W1, b1, W2, b2, Wfc, bfc):
    src = edge_index[0]
    dst = edge_index[1]
    pad = EPAD - E
    src_p = jnp.concatenate(
        [src, jnp.zeros((pad,), jnp.int32)]).reshape(NW * K, CH)
    dst_p = jnp.concatenate(
        [dst, jnp.full((pad,), NP - 1, jnp.int32)]).reshape(NW * K, CH)
    xp = jnp.pad(x, ((0, NP - N), (0, 0)))
    zeros1 = jnp.zeros((NP,), jnp.float32)
    zeros2 = jnp.zeros((NP, D), jnp.float32)

    degs = _deg_scatter(dst_p, zeros1)
    d0 = degs[0].reshape(NP, 1)
    d1 = degs[1].reshape(NP, 1)

    g1, dinv = _phase1(xp, W1, d0, d1)
    s = _edge_scatter(src_p, dst_p, g1, zeros2)
    g2 = _phase2(s[0], s[1], g1, dinv, b1.reshape(1, D), W2)
    t = _edge_scatter(src_p, dst_p, g2, zeros2)
    emb_p, out_p = _phase3(t[0], t[1], g2, dinv, b2.reshape(1, D),
                           Wfc, bfc.reshape(1, D))
    return emb_p[:N], out_p[:N]

# --- scband reference (transcript-rebuilt; emitter-appended) ---
"""Pipeline reference for scband-flexible-gcn-89532888252423 (READ-ONLY COPY).

The authoritative reference and input builder live on the scoring server;
editing this copy changes nothing except your own understanding.
"""

import jax, jax.numpy as jnp
import numpy as np

N = 10000
E = 320000
D_IN = 128
H1 = 128
H2 = 128
D_OUT = 128


def setup_inputs(seed: int = 0) -> dict:
    key = jax.random.key(seed)
    ks = jax.random.split(key, 8)
    x = jax.random.normal(ks[0], (N, D_IN), dtype=jnp.float32)
    edge_index = jax.random.randint(ks[1], (2, E), 0, N, dtype=jnp.int32)
    def glorot(k, fan_in, fan_out):
        s = jnp.sqrt(6.0 / (fan_in + fan_out))
        return jax.random.uniform(k, (fan_in, fan_out), dtype=jnp.float32, minval=-s, maxval=s)
    W1 = glorot(ks[2], D_IN, H1)
    b1 = jnp.zeros((H1,), dtype=jnp.float32)
    W2 = glorot(ks[3], H1, H2)
    b2 = jnp.zeros((H2,), dtype=jnp.float32)
    Wfc = glorot(ks[4], H2, D_OUT)
    bfc = jnp.zeros((D_OUT,), dtype=jnp.float32)
    return {"x": x, "edge_index": edge_index, "W1": W1, "b1": b1, "W2": W2, "b2": b2, "Wfc": Wfc, "bfc": bfc}


def gcn_layer(x, edge_index, W, b):
    n = x.shape[0]
    src = edge_index[0]
    dst = edge_index[1]
    sl = jnp.arange(n, dtype=src.dtype)
    src = jnp.concatenate([src, sl])
    dst = jnp.concatenate([dst, sl])
    h = x @ W
    ones = jnp.ones(src.shape[0], dtype=x.dtype)
    deg = jnp.zeros((n,), dtype=x.dtype).at[dst].add(ones)
    dinv = jnp.where(deg > 0, deg ** -0.5, 0.0)
    norm = dinv[src] * dinv[dst]
    msgs = h[src] * norm[:, None]
    out = jnp.zeros_like(h).at[dst].add(msgs)
    return out + b


def reference(x, edge_index, W1, b1, W2, b2, Wfc, bfc):
    h = jax.nn.relu(gcn_layer(x, edge_index, W1, b1))
    h = jax.nn.relu(gcn_layer(h, edge_index, W2, b2))
    embedding = h
    out = h @ Wfc + bfc
    return (embedding, out)

if __name__ == "__main__":
    import jax
    _d = setup_inputs()
    print(jax.jit(kernel)(*tuple(_d.values())))

</pallas_src>

<mosaic_0001>
#map = affine_map<(d0, d1) -> (0, 0)>
#map1 = affine_map<(d0, d1) -> (0)>
module attributes {stable_mosaic.version = 14 : i64} {
  func.func @_deg_scatter(%arg0: i32, %arg1: i32, %arg2: memref<2560x128xi32, #tpu.memory_space<hbm>>, %arg3: memref<10240xf32, #tpu.memory_space<hbm>>, %arg4: memref<2x10240xf32, #tpu.memory_space<hbm>>, %arg5: memref<80x128xi32, #tpu.memory_space<vmem>>, %arg6: memref<128xf32, #tpu.memory_space<vmem>>, %arg7: memref<10240xf32, #tpu.memory_space<vmem_shared>>, %arg8: memref<!tpu.dma_semaphore, #tpu.memory_space<semaphore_mem>>) attributes {dimension_semantics = [#tpu.dimension_semantics<core_parallel>, #tpu.dimension_semantics<subcore_parallel>], iteration_bounds = array<i64: 2, 16>, scalar_prefetch = 0 : i64, scratch_operands = 4 : i64, tpu.core_type = #tpu.core_type<sc_vector_subcore>, window_params = [{transform_indices = #map}, {transform_indices = #map1}, {transform_indices = #map}]} {
    %mul3A = arith.constant 2 : i32
    %mul3A_0 = arith.muli %arg1, %mul3A : i32
    %add3A = arith.addi %mul3A_0, %arg0 : i32
    %mul3A_1 = arith.constant 640 : i32
    %mul3A_2 = arith.muli %arg1, %mul3A_1 : i32
    "tpu.region"() ({
      %run_scoped3A = tpu.sem_alloc : memref<!tpu.dma_semaphore, #tpu.memory_space<semaphore_mem>>
      %dma_start3A = tpu.memref_slice %arg7[%mul3A_2] : memref<10240xf32, #tpu.memory_space<vmem_shared>> -> memref<640xf32, #tpu.memory_space<vmem_shared>>
      %dma_start3A_57 = tpu.memref_slice %arg3[%mul3A_2] : memref<10240xf32, #tpu.memory_space<hbm>> -> memref<640xf32, #tpu.memory_space<hbm>>
      tpu.enqueue_dma source(%dma_start3A_57 : memref<640xf32, #tpu.memory_space<hbm>>) target(%dma_start3A : memref<640xf32, #tpu.memory_space<vmem_shared>>) target_semaphore(%run_scoped3A : memref<!tpu.dma_semaphore, #tpu.memory_space<semaphore_mem>>)
      %dma_wait3A = tpu.memref_slice %arg7[%mul3A_2] : memref<10240xf32, #tpu.memory_space<vmem_shared>> -> memref<640xf32, #tpu.memory_space<vmem_shared>>
      %dma_wait3A_58 = tpu.memref_slice %arg3[%mul3A_2] : memref<10240xf32, #tpu.memory_space<hbm>> -> memref<640xf32, #tpu.memory_space<hbm>>
      tpu.wait_dma2 semaphore(%run_scoped3A : memref<!tpu.dma_semaphore, #tpu.memory_space<semaphore_mem>>) src(%dma_wait3A_58 : memref<640xf32, #tpu.memory_space<hbm>>) dst(%dma_wait3A : memref<640xf32, #tpu.memory_space<vmem_shared>>)
      tpu.yield
    }) : () -> ()
    %mul3A_3 = arith.constant 80 : i32
    %mul3A_4 = arith.muli %add3A, %mul3A_3 : i32
    "tpu.region"() ({
      %run_scoped3A = tpu.sem_alloc : memref<!tpu.dma_semaphore, #tpu.memory_space<semaphore_mem>>
      %dma_start3A = arith.constant 0 : i32
      %dma_start3A_57 = tpu.memref_slice %arg2[%mul3A_4, %dma_start3A] : memref<2560x128xi32, #tpu.memory_space<hbm>> -> memref<80x128xi32, #tpu.memory_space<hbm>>
      %dma_start3A_58 = arith.constant 0 : i32
      %dma_start3A_59 = tpu.memref_slice %arg2[%mul3A_4, %dma_start3A_58] : memref<2560x128xi32, #tpu.memory_space<hbm>> -> memref<80x128xi32, #tpu.memory_space<hbm>>
      tpu.enqueue_dma source(%dma_start3A_59 : memref<80x128xi32, #tpu.memory_space<hbm>>) target(%arg5 : memref<80x128xi32, #tpu.memory_space<vmem>>) target_semaphore(%run_scoped3A : memref<!tpu.dma_semaphore, #tpu.memory_space<semaphore_mem>>)
      %dma_wait3A = arith.constant 0 : i32
      %dma_wait3A_60 = tpu.memref_slice %arg2[%mul3A_4, %dma_wait3A] : memref<2560x128xi32, #tpu.memory_space<hbm>> -> memref<80x128xi32, #tpu.memory_space<hbm>>
      %dma_wait3A_61 = arith.constant 0 : i32
      %dma_wait3A_62 = tpu.memref_slice %arg2[%mul3A_4, %dma_wait3A_61] : memref<2560x128xi32, #tpu.memory_space<hbm>> -> memref<80x128xi32, #tpu.memory_space<hbm>>
      tpu.wait_dma2 semaphore(%run_scoped3A : memref<!tpu.dma_semaphore, #tpu.memory_space<semaphore_mem>>) src(%dma_wait3A_62 : memref<80x128xi32, #tpu.memory_space<hbm>>) dst(%arg5 : memref<80x128xi32, #tpu.memory_space<vmem>>)
      tpu.yield
    }) : () -> ()
    %broadcast_in_dim3A = arith.constant 1.000000e+00 : f32
    %broadcast_in_dim3A_5 = vector.broadcast %broadcast_in_dim3A : f32 to vector<16xf32>
    %swap3A = arith.constant 0 : index
    %swap3A_6 = tpu.vector_load %arg6[%swap3A] {strides = array<i32>} : memref<128xf32, #tpu.memory_space<vmem>>, vector<16xf32>,
    %swap3A_7 = vector.shape_cast %swap3A_6 : vector<16xf32> to vector<16xf32>
    %swap3A_8 = vector.shape_cast %broadcast_in_dim3A_5 : vector<16xf32> to vector<16xf32>
    tpu.vector_store %arg6[%swap3A], %swap3A_8 {strides = array<i32>} : memref<128xf32, #tpu.memory_space<vmem>>, vector<16xf32>,
    %broadcast_in_dim3A_9 = arith.constant 1.000000e+00 : f32
    %broadcast_in_dim3A_10 = vector.broadcast %broadcast_in_dim3A_9 : f32 to vector<16xf32>
    %swap3A_11 = arith.constant 16 : index
    %swap3A_12 = tpu.vector_load %arg6[%swap3A_11] {strides = array<i32>} : memref<128xf32, #tpu.memory_space<vmem>>, vector<16xf32>,
    %swap3A_13 = vector.shape_cast %swap3A_12 : vector<16xf32> to vector<16xf32>
    %swap3A_14 = vector.shape_cast %broadcast_in_dim3A_10 : vector<16xf32> to vector<16xf32>
    tpu.vector_store %arg6[%swap3A_11], %swap3A_14 {strides = array<i32>} : memref<128xf32, #tpu.memory_space<vmem>>, vector<16xf32>,
    %broadcast_in_dim3A_15 = arith.constant 1.000000e+00 : f32
    %broadcast_in_dim3A_16 = vector.broadcast %broadcast_in_dim3A_15 : f32 to vector<16xf32>
    %swap3A_17 = arith.constant 32 : index
    %swap3A_18 = tpu.vector_load %arg6[%swap3A_17] {strides = array<i32>} : memref<128xf32, #tpu.memory_space<vmem>>, vector<16xf32>,
    %swap3A_19 = vector.shape_cast %swap3A_18 : vector<16xf32> to vector<16xf32>
    %swap3A_20 = vector.shape_cast %broadcast_in_dim3A_16 : vector<16xf32> to vector<16xf32>
    tpu.vector_store %arg6[%swap3A_17], %swap3A_20 {strides = array<i32>} : memref<128xf32, #tpu.memory_space<vmem>>, vector<16xf32>,
    %broadcast_in_dim3A_21 = arith.constant 1.000000e+00 : f32
    %broadcast_in_dim3A_22 = vector.broadcast %broadcast_in_dim3A_21 : f32 to vector<16xf32>
    %swap3A_23 = arith.constant 48 : index
    %swap3A_24 = tpu.vector_load %arg6[%swap3A_23] {strides = array<i32>} : memref<128xf32, #tpu.memory_space<vmem>>, vector<16xf32>,
    %swap3A_25 = vector.shape_cast %swap3A_24 : vector<16xf32> to vector<16xf32>
    %swap3A_26 = vector.shape_cast %broadcast_in_dim3A_22 : vector<16xf32> to vector<16xf32>
    tpu.vector_store %arg6[%swap3A_23], %swap3A_26 {strides = array<i32>} : memref<128xf32, #tpu.memory_space<vmem>>, vector<16xf32>,
    %broadcast_in_dim3A_27 = arith.constant 1.000000e+00 : f32
    %broadcast_in_dim3A_28 = vector.broadcast %broadcast_in_dim3A_27 : f32 to vector<16xf32>
    %swap3A_29 = arith.constant 64 : index
    %swap3A_30 = tpu.vector_load %arg6[%swap3A_29] {strides = array<i32>} : memref<128xf32, #tpu.memory_space<vmem>>, vector<16xf32>,
    %swap3A_31 = vector.shape_cast %swap3A_30 : vector<16xf32> to vector<16xf32>
    %swap3A_32 = vector.shape_cast %broadcast_in_dim3A_28 : vector<16xf32> to vector<16xf32>
    tpu.vector_store %arg6[%swap3A_29], %swap3A_32 {strides = array<i32>} : memref<128xf32, #tpu.memory_space<vmem>>, vector<16xf32>,
    %broadcast_in_dim3A_33 = arith.constant 1.000000e+00 : f32
    %broadcast_in_dim3A_34 = vector.broadcast %broadcast_in_dim3A_33 : f32 to vector<16xf32>
    %swap3A_35 = arith.constant 80 : index
    %swap3A_36 = tpu.vector_load %arg6[%swap3A_35] {strides = array<i32>} : memref<128xf32, #tpu.memory_space<vmem>>, vector<16xf32>,
    %swap3A_37 = vector.shape_cast %swap3A_36 : vector<16xf32> to vector<16xf32>
    %swap3A_38 = vector.shape_cast %broadcast_in_dim3A_34 : vector<16xf32> to vector<16xf32>
    tpu.vector_store %arg6[%swap3A_35], %swap3A_38 {strides = array<i32>} : memref<128xf32, #tpu.memory_space<vmem>>, vector<16xf32>,
    %broadcast_in_dim3A_39 = arith.constant 1.000000e+00 : f32
    %broadcast_in_dim3A_40 = vector.broadcast %broadcast_in_dim3A_39 : f32 to vector<16xf32>
    %swap3A_41 = arith.constant 96 : index
    %swap3A_42 = tpu.vector_load %arg6[%swap3A_41] {strides = array<i32>} : memref<128xf32, #tpu.memory_space<vmem>>, vector<16xf32>,
    %swap3A_43 = vector.shape_cast %swap3A_42 : vector<16xf32> to vector<16xf32>
    %swap3A_44 = vector.shape_cast %broadcast_in_dim3A_40 : vector<16xf32> to vector<16xf32>
    tpu.vector_store %arg6[%swap3A_41], %swap3A_44 {strides = array<i32>} : memref<128xf32, #tpu.memory_space<vmem>>, vector<16xf32>,
    %broadcast_in_dim3A_45 = arith.constant 1.000000e+00 : f32
    %broadcast_in_dim3A_46 = vector.broadcast %broadcast_in_dim3A_45 : f32 to vector<16xf32>
    %swap3A_47 = arith.constant 112 : index
    %swap3A_48 = tpu.vector_load %arg6[%swap3A_47] {strides = array<i32>} : memref<128xf32, #tpu.memory_space<vmem>>, vector<16xf32>,
    %swap3A_49 = vector.shape_cast %swap3A_48 : vector<16xf32> to vector<16xf32>
    %swap3A_50 = vector.shape_cast %broadcast_in_dim3A_46 : vector<16xf32> to vector<16xf32>
    tpu.vector_store %arg6[%swap3A_47], %swap3A_50 {strides = array<i32>} : memref<128xf32, #tpu.memory_space<vmem>>, vector<16xf32>,
    %barrier3A = arith.constant 0 : index
    tpu.barrier barrier_id(%barrier3A)
    %scan3A = arith.constant 0 : i32
    %scan3A_51 = arith.constant 0 : i32
    %scan3A_52 = arith.constant 80 : i32
    %scan3A_53 = arith.addi %scan3A_51, %scan3A_52 : i32
    %scan3A_54 = arith.constant 1 : i32
    scf.for %scan3A_57 = %scan3A_51 to %scan3A_53 step %scan3A_54  : i32 {
      %dma_start3A = arith.constant 0 : i32
      %dma_start3A_58 = tpu.memref_slice %arg5[%scan3A_57, %dma_start3A] : memref<80x128xi32, #tpu.memory_space<vmem>> -> memref<1x128xi32, #tpu.memory_space<vmem>>
      %dma_start3A_59 = tpu.memref_squeeze %dma_start3A_58 : memref<1x128xi32, #tpu.memory_space<vmem>> -> memref<128xi32, #tpu.memory_space<vmem>>
      %dma_start3A_60 = arith.constant 0 : i32
      %dma_start3A_61 = tpu.memref_slice %arg7[%dma_start3A_60] : memref<10240xf32, #tpu.memory_space<vmem_shared>> -> memref<10240xf32, #tpu.memory_space<vmem_shared>>
      tpu.enqueue_indirect_dma source(%arg6 : memref<128xf32, #tpu.memory_space<vmem>>) target(%dma_start3A_61 : memref<10240xf32, #tpu.memory_space<vmem_shared>>) offsets(%dma_start3A_59 : memref<128xi32, #tpu.memory_space<vmem>>) semaphore(%arg8 : memref<!tpu.dma_semaphore, #tpu.memory_space<semaphore_mem>>) {add = true}
      %dma_wait3A = arith.constant 0 : i32
      %dma_wait3A_62 = tpu.memref_slice %arg5[%scan3A_57, %dma_wait3A] : memref<80x128xi32, #tpu.memory_space<vmem>> -> memref<1x128xi32, #tpu.memory_space<vmem>>
      %dma_wait3A_63 = tpu.memref_squeeze %dma_wait3A_62 : memref<1x128xi32, #tpu.memory_space<vmem>> -> memref<128xi32, #tpu.memory_space<vmem>>
      %dma_wait3A_64 = arith.constant 0 : i32
      %dma_wait3A_65 = tpu.memref_slice %arg7[%dma_wait3A_64] : memref<10240xf32, #tpu.memory_space<vmem_shared>> -> memref<10240xf32, #tpu.memory_space<vmem_shared>>
      tpu.wait_indirect_dma semaphore(%arg8 : memref<!tpu.dma_semaphore, #tpu.memory_space<semaphore_mem>>) src(%arg6 : memref<128xf32, #tpu.memory_space<vmem>>) dst(%dma_wait3A_65 : memref<10240xf32, #tpu.memory_space<vmem_shared>>)
    }
    %scan3A_55 = arith.constant 80 : i32
    %barrier3A_56 = arith.constant 0 : index
    tpu.barrier barrier_id(%barrier3A_56)
    "tpu.region"() ({
      %run_scoped3A = tpu.sem_alloc : memref<!tpu.dma_semaphore, #tpu.memory_space<semaphore_mem>>
      %dma_start3A = tpu.memref_slice %arg4[%arg0, %mul3A_2] : memref<2x10240xf32, #tpu.memory_space<hbm>> -> memref<1x640xf32, #tpu.memory_space<hbm>>
      %dma_start3A_57 = tpu.memref_squeeze %dma_start3A : memref<1x640xf32, #tpu.memory_space<hbm>> -> memref<640xf32, #tpu.memory_space<hbm>>
      %dma_start3A_58 = tpu.memref_slice %arg7[%mul3A_2] : memref<10240xf32, #tpu.memory_space<vmem_shared>> -> memref<640xf32, #tpu.memory_space<vmem_shared>>
      tpu.enqueue_dma source(%dma_start3A_58 : memref<640xf32, #tpu.memory_space<vmem_shared>>) target(%dma_start3A_57 : memref<640xf32, #tpu.memory_space<hbm>>) target_semaphore(%run_scoped3A : memref<!tpu.dma_semaphore, #tpu.memory_space<semaphore_mem>>)
      %dma_wait3A = tpu.memref_slice %arg4[%arg0, %mul3A_2] : memref<2x10240xf32, #tpu.memory_space<hbm>> -> memref<1x640xf32, #tpu.memory_space<hbm>>
      %dma_wait3A_59 = tpu.memref_squeeze %dma_wait3A : memref<1x640xf32, #tpu.memory_space<hbm>> -> memref<640xf32, #tpu.memory_space<hbm>>
      %dma_wait3A_60 = tpu.memref_slice %arg7[%mul3A_2] : memref<10240xf32, #tpu.memory_space<vmem_shared>> -> memref<640xf32, #tpu.memory_space<vmem_shared>>
      tpu.wait_dma2 semaphore(%run_scoped3A : memref<!tpu.dma_semaphore, #tpu.memory_space<semaphore_mem>>) src(%dma_wait3A_60 : memref<640xf32, #tpu.memory_space<vmem_shared>>) dst(%dma_wait3A_59 : memref<640xf32, #tpu.memory_space<hbm>>)
      tpu.yield
    }) : () -> ()
    return
  }
}

#map = affine_map<(d0, d1) -> (0, 0)>
#map1 = affine_map<(d0, d1) -> (0, 0, 0)>
module attributes {stable_mosaic.version = 14 : i64} {
  func.func @_edge_scatter(%arg0: i32, %arg1: i32, %arg2: memref<2560x128xi32, #tpu.memory_space<hbm>>, %arg3: memref<2560x128xi32, #tpu.memory_space<hbm>>, %arg4: memref<10240x128xf32, #tpu.memory_space<hbm>>, %arg5: memref<10240x128xf32, #tpu.memory_space<hbm>>, %arg6: memref<2x10240x128xf32, #tpu.memory_space<hbm>>, %arg7: memref<8x128xi32, #tpu.memory_space<vmem>>, %arg8: memref<8x128xi32, #tpu.memory_space<vmem>>, %arg9: memref<128x128xf32, #tpu.memory_space<vmem>>, %arg10: memref<128x128xf32, #tpu.memory_space<vmem>>, %arg11: memref<10240x128xf32, #tpu.memory_space<vmem_shared>>, %arg12: memref<!tpu.dma_semaphore, #tpu.memory_space<semaphore_mem>>, %arg13: memref<!tpu.dma_semaphore, #tpu.memory_space<semaphore_mem>>, %arg14: memref<!tpu.dma_semaphore, #tpu.memory_space<semaphore_mem>>, %arg15: memref<!tpu.dma_semaphore, #tpu.memory_space<semaphore_mem>>, %arg16: memref<!tpu.dma_semaphore, #tpu.memory_space<semaphore_mem>>) attributes {dimension_semantics = [#tpu.dimension_semantics<core_parallel>, #tpu.dimension_semantics<subcore_parallel>], iteration_bounds = array<i64: 2, 16>, scalar_prefetch = 0 : i64, scratch_operands = 10 : i64, tpu.core_type = #tpu.core_type<sc_vector_subcore>, window_params = [{transform_indices = #map}, {transform_indices = #map}, {transform_indices = #map}, {transform_indices = #map}, {transform_indices = #map1}]} {
    %mul3A = arith.constant 640 : i32
    %mul3A_0 = arith.muli %arg1, %mul3A : i32
    %mul3A_1 = arith.constant 160 : i32
    %mul3A_2 = arith.muli %arg1, %mul3A_1 : i32
    %mul3A_3 = arith.constant 128 : i32
    %mul3A_4 = arith.muli %arg0, %mul3A_3 : i32
    %add3A = arith.addi %mul3A_2, %mul3A_4 : i32
    %eq3A = arith.constant 0 : i32
    %eq3A_5 = arith.cmpi eq, %arg0, %eq3A : i32
    %select_n3A = arith.constant 4 : i32
    %select_n3A_6 = arith.constant 16 : i32
    %select_n3A_7 = arith.select %eq3A_5, %select_n3A_6, %select_n3A : i32
    %dma_start3A = arith.constant 0 : i32
    %dma_start3A_8 = tpu.memref_slice %arg11[%mul3A_0, %dma_start3A] : memref<10240x128xf32, #tpu.memory_space<vmem_shared>> -> memref<640x128xf32, #tpu.memory_space<vmem_shared>>
    %dma_start3A_9 = arith.constant 0 : i32
    %dma_start3A_10 = tpu.memref_slice %arg5[%mul3A_0, %dma_start3A_9] : memref<10240x128xf32, #tpu.memory_space<hbm>> -> memref<640x128xf32, #tpu.memory_space<hbm>>
    tpu.enqueue_dma source(%dma_start3A_10 : memref<640x128xf32, #tpu.memory_space<hbm>>) target(%dma_start3A_8 : memref<640x128xf32, #tpu.memory_space<vmem_shared>>) target_semaphore(%arg16 : memref<!tpu.dma_semaphore, #tpu.memory_space<semaphore_mem>>)
    %dma_wait3A = arith.constant 0 : i32
    %dma_wait3A_11 = tpu.memref_slice %arg11[%mul3A_0, %dma_wait3A] : memref<10240x128xf32, #tpu.memory_space<vmem_shared>> -> memref<640x128xf32, #tpu.memory_space<vmem_shared>>
    %dma_wait3A_12 = arith.constant 0 : i32
    %dma_wait3A_13 = tpu.memref_slice %arg5[%mul3A_0, %dma_wait3A_12] : memref<10240x128xf32, #tpu.memory_space<hbm>> -> memref<640x128xf32, #tpu.memory_space<hbm>>
    tpu.wait_dma2 semaphore(%arg16 : memref<!tpu.dma_semaphore, #tpu.memory_space<semaphore_mem>>) src(%dma_wait3A_13 : memref<640x128xf32, #tpu.memory_space<hbm>>) dst(%dma_wait3A_11 : memref<640x128xf32, #tpu.memory_space<vmem_shared>>)
    %barrier3A = arith.constant 0 : index
    tpu.barrier barrier_id(%barrier3A)
    %while3A = arith.constant 0 : i32
    %while3A_14 = arith.constant 0 : i32
    %while3A_15 = arith.subi %select_n3A_7, %while3A_14 : i32
    %while3A_16 = arith.addi %while3A_14, %while3A_15 : i32
    %while3A_17 = arith.constant 1 : i32
    %while3A_18 = arith.divsi %while3A_15, %while3A_17 : i32
    %while3A_19 = arith.muli %while3A_18, %while3A_17 : i32
    %while3A_20 = arith.addi %while3A_14, %while3A_19 : i32
    %while3A_21 = arith.constant 1 : i32
    scf.for %while3A_24 = %while3A_14 to %while3A_20 step %while3A_21  : i32 {
      %mul3A_25 = arith.constant 8 : i32
      %mul3A_26 = arith.muli %while3A_24, %mul3A_25 : i32
      %add3A_27 = arith.addi %add3A, %mul3A_26 : i32
      "tpu.region"() ({
        %run_scoped3A = tpu.sem_alloc : memref<!tpu.dma_semaphore, #tpu.memory_space<semaphore_mem>>
        %dma_start3A_40 = arith.constant 0 : i32
        %dma_start3A_41 = tpu.memref_slice %arg2[%add3A_27, %dma_start3A_40] : memref<2560x128xi32, #tpu.memory_space<hbm>> -> memref<8x128xi32, #tpu.memory_space<hbm>>
        %dma_start3A_42 = arith.constant 0 : i32
        %dma_start3A_43 = tpu.memref_slice %arg2[%add3A_27, %dma_start3A_42] : memref<2560x128xi32, #tpu.memory_space<hbm>> -> memref<8x128xi32, #tpu.memory_space<hbm>>
        tpu.enqueue_dma source(%dma_start3A_43 : memref<8x128xi32, #tpu.memory_space<hbm>>) target(%arg7 : memref<8x128xi32, #tpu.memory_space<vmem>>) target_semaphore(%run_scoped3A : memref<!tpu.dma_semaphore, #tpu.memory_space<semaphore_mem>>)
        %dma_wait3A_44 = arith.constant 0 : i32
        %dma_wait3A_45 = tpu.memref_slice %arg2[%add3A_27, %dma_wait3A_44] : memref<2560x128xi32, #tpu.memory_space<hbm>> -> memref<8x128xi32, #tpu.memory_space<hbm>>
        %dma_wait3A_46 = arith.constant 0 : i32
        %dma_wait3A_47 = tpu.memref_slice %arg2[%add3A_27, %dma_wait3A_46] : memref<2560x128xi32, #tpu.memory_space<hbm>> -> memref<8x128xi32, #tpu.memory_space<hbm>>
        tpu.wait_dma2 semaphore(%run_scoped3A : memref<!tpu.dma_semaphore, #tpu.memory_space<semaphore_mem>>) src(%dma_wait3A_47 : memref<8x128xi32, #tpu.memory_space<hbm>>) dst(%arg7 : memref<8x128xi32, #tpu.memory_space<vmem>>)
        tpu.yield
      }) : () -> ()
      "tpu.region"() ({
        %run_scoped3A = tpu.sem_alloc : memref<!tpu.dma_semaphore, #tpu.memory_space<semaphore_mem>>
        %dma_start3A_40 = arith.constant 0 : i32
        %dma_start3A_41 = tpu.memref_slice %arg3[%add3A_27, %dma_start3A_40] : memref<2560x128xi32, #tpu.memory_space<hbm>> -> memref<8x128xi32, #tpu.memory_space<hbm>>
        %dma_start3A_42 = arith.constant 0 : i32
        %dma_start3A_43 = tpu.memref_slice %arg3[%add3A_27, %dma_start3A_42] : memref<2560x128xi32, #tpu.memory_space<hbm>> -> memref<8x128xi32, #tpu.memory_space<hbm>>
        tpu.enqueue_dma source(%dma_start3A_43 : memref<8x128xi32, #tpu.memory_space<hbm>>) target(%arg8 : memref<8x128xi32, #tpu.memory_space<vmem>>) target_semaphore(%run_scoped3A : memref<!tpu.dma_semaphore, #tpu.memory_space<semaphore_mem>>)
        %dma_wait3A_44 = arith.constant 0 : i32
        %dma_wait3A_45 = tpu.memref_slice %arg3[%add3A_27, %dma_wait3A_44] : memref<2560x128xi32, #tpu.memory_space<hbm>> -> memref<8x128xi32, #tpu.memory_space<hbm>>
        %dma_wait3A_46 = arith.constant 0 : i32
        %dma_wait3A_47 = tpu.memref_slice %arg3[%add3A_27, %dma_wait3A_46] : memref<2560x128xi32, #tpu.memory_space<hbm>> -> memref<8x128xi32, #tpu.memory_space<hbm>>
        tpu.wait_dma2 semaphore(%run_scoped3A : memref<!tpu.dma_semaphore, #tpu.memory_space<semaphore_mem>>) src(%dma_wait3A_47 : memref<8x128xi32, #tpu.memory_space<hbm>>) dst(%arg8 : memref<8x128xi32, #tpu.memory_space<vmem>>)
        tpu.yield
      }) : () -> ()
      %dma_start3A_28 = arith.constant 0 : i32
      %dma_start3A_29 = arith.constant 0 : i32
      %dma_start3A_30 = tpu.memref_slice %arg7[%dma_start3A_28, %dma_start3A_29] : memref<8x128xi32, #tpu.memory_space<vmem>> -> memref<1x128xi32, #tpu.memory_space<vmem>>
      %dma_start3A_31 = tpu.memref_squeeze %dma_start3A_30 : memref<1x128xi32, #tpu.memory_space<vmem>> -> memref<128xi32, #tpu.memory_space<vmem>>
      %dma_start3A_32 = arith.constant 0 : i32
      %dma_start3A_33 = arith.constant 0 : i32
      %dma_start3A_34 = tpu.memref_slice %arg4[%dma_start3A_32, %dma_start3A_33] : memref<10240x128xf32, #tpu.memory_space<hbm>> -> memref<10240x128xf32, #tpu.memory_space<hbm>>
      tpu.enqueue_indirect_dma source(%dma_start3A_34 : memref<10240x128xf32, #tpu.memory_space<hbm>>) target(%arg9 : memref<128x128xf32, #tpu.memory_space<vmem>>) offsets(%dma_start3A_31 : memref<128xi32, #tpu.memory_space<vmem>>) semaphore(%arg12 : memref<!tpu.dma_semaphore, #tpu.memory_space<semaphore_mem>>)
      %scan3A = arith.constant 0 : i32
      %scan3A_35 = arith.constant 0 : i32
      %scan3A_36 = arith.constant 4 : i32
      %scan3A_37 = arith.addi %scan3A_35, %scan3A_36 : i32
      %scan3A_38 = arith.constant 1 : i32
      scf.for %scan3A_40 = %scan3A_35 to %scan3A_37 step %scan3A_38  : i32 {
        %mul3A_41 = arith.constant 2 : i32
        %mul3A_42 = arith.muli %mul3A_41, %scan3A_40 : i32
        %add3A_43 = arith.constant 1 : i32
        %add3A_44 = arith.addi %mul3A_42, %add3A_43 : i32
        %dma_start3A_45 = arith.constant 0 : i32
        %dma_start3A_46 = tpu.memref_slice %arg7[%add3A_44, %dma_start3A_45] : memref<8x128xi32, #tpu.memory_space<vmem>> -> memref<1x128xi32, #tpu.memory_space<vmem>>
        %dma_start3A_47 = tpu.memref_squeeze %dma_start3A_46 : memref<1x128xi32, #tpu.memory_space<vmem>> -> memref<128xi32, #tpu.memory_space<vmem>>
        %dma_start3A_48 = arith.constant 0 : i32
        %dma_start3A_49 = arith.constant 0 : i32
        %dma_start3A_50 = tpu.memref_slice %arg4[%dma_start3A_48, %dma_start3A_49] : memref<10240x128xf32, #tpu.memory_space<hbm>> -> memref<10240x128xf32, #tpu.memory_space<hbm>>
        tpu.enqueue_indirect_dma source(%dma_start3A_50 : memref<10240x128xf32, #tpu.memory_space<hbm>>) target(%arg10 : memref<128x128xf32, #tpu.memory_space<vmem>>) offsets(%dma_start3A_47 : memref<128xi32, #tpu.memory_space<vmem>>) semaphore(%arg13 : memref<!tpu.dma_semaphore, #tpu.memory_space<semaphore_mem>>)
        %dma_wait3A_51 = arith.constant 0 : i32
        %dma_wait3A_52 = arith.constant 0 : i32
        %dma_wait3A_53 = tpu.memref_slice %arg7[%dma_wait3A_51, %dma_wait3A_52] : memref<8x128xi32, #tpu.memory_space<vmem>> -> memref<1x128xi32, #tpu.memory_space<vmem>>
        %dma_wait3A_54 = tpu.memref_squeeze %dma_wait3A_53 : memref<1x128xi32, #tpu.memory_space<vmem>> -> memref<128xi32, #tpu.memory_space<vmem>>
        %dma_wait3A_55 = arith.constant 0 : i32
        %dma_wait3A_56 = arith.constant 0 : i32
        %dma_wait3A_57 = tpu.memref_slice %arg4[%dma_wait3A_55, %dma_wait3A_56] : memref<10240x128xf32, #tpu.memory_space<hbm>> -> memref<10240x128xf32, #tpu.memory_space<hbm>>
        tpu.wait_indirect_dma semaphore(%arg12 : memref<!tpu.dma_semaphore, #tpu.memory_space<semaphore_mem>>) src(%dma_wait3A_57 : memref<10240x128xf32, #tpu.memory_space<hbm>>) dst(%arg9 : memref<128x128xf32, #tpu.memory_space<vmem>>)
        %dma_start3A_58 = arith.constant 0 : i32
        %dma_start3A_59 = tpu.memref_slice %arg8[%mul3A_42, %dma_start3A_58] : memref<8x128xi32, #tpu.memory_space<vmem>> -> memref<1x128xi32, #tpu.memory_space<vmem>>
        %dma_start3A_60 = tpu.memref_squeeze %dma_start3A_59 : memref<1x128xi32, #tpu.memory_space<vmem>> -> memref<128xi32, #tpu.memory_space<vmem>>
        %dma_start3A_61 = arith.constant 0 : i32
        %dma_start3A_62 = arith.constant 0 : i32
        %dma_start3A_63 = tpu.memref_slice %arg11[%dma_start3A_61, %dma_start3A_62] : memref<10240x128xf32, #tpu.memory_space<vmem_shared>> -> memref<10240x128xf32, #tpu.memory_space<vmem_shared>>
        tpu.enqueue_indirect_dma source(%arg9 : memref<128x128xf32, #tpu.memory_space<vmem>>) target(%dma_start3A_63 : memref<10240x128xf32, #tpu.memory_space<vmem_shared>>) offsets(%dma_start3A_60 : memref<128xi32, #tpu.memory_space<vmem>>) semaphore(%arg14 : memref<!tpu.dma_semaphore, #tpu.memory_space<semaphore_mem>>) {add = true}
        %dma_wait3A_64 = arith.constant 0 : i32
        %dma_wait3A_65 = arith.constant 0 : i32
        %dma_wait3A_66 = tpu.memref_slice %arg8[%dma_wait3A_64, %dma_wait3A_65] : memref<8x128xi32, #tpu.memory_space<vmem>> -> memref<1x128xi32, #tpu.memory_space<vmem>>
        %dma_wait3A_67 = tpu.memref_squeeze %dma_wait3A_66 : memref<1x128xi32, #tpu.memory_space<vmem>> -> memref<128xi32, #tpu.memory_space<vmem>>
        %dma_wait3A_68 = arith.constant 0 : i32
        %dma_wait3A_69 = arith.constant 0 : i32
        %dma_wait3A_70 = tpu.memref_slice %arg11[%dma_wait3A_68, %dma_wait3A_69] : memref<10240x128xf32, #tpu.memory_space<vmem_shared>> -> memref<10240x128xf32, #tpu.memory_space<vmem_shared>>
        tpu.wait_indirect_dma semaphore(%arg14 : memref<!tpu.dma_semaphore, #tpu.memory_space<semaphore_mem>>) src(%arg9 : memref<128x128xf32, #tpu.memory_space<vmem>>) dst(%dma_wait3A_70 : memref<10240x128xf32, #tpu.memory_space<vmem_shared>>)
        %add3A_71 = arith.constant 1 : i32
        %add3A_72 = arith.addi %scan3A_40, %add3A_71 : i32
        %lt3A = arith.constant 4 : i32
        %lt3A_73 = arith.cmpi slt, %add3A_72, %lt3A : i32
        %convert_element_type3A = arith.extui %lt3A_73 : i1 to i32
        %cond3A = arith.constant 0 : i32
        %cond3A_74 = arith.cmpi ne, %convert_element_type3A, %cond3A : i32
        scf.if %cond3A_74 {
          %add3A_97 = arith.constant 2 : i32
          %add3A_98 = arith.addi %mul3A_42, %add3A_97 : i32
          %dma_start3A_99 = arith.constant 0 : i32
          %dma_start3A_100 = tpu.memref_slice %arg7[%add3A_98, %dma_start3A_99] : memref<8x128xi32, #tpu.memory_space<vmem>> -> memref<1x128xi32, #tpu.memory_space<vmem>>
          %dma_start3A_101 = tpu.memref_squeeze %dma_start3A_100 : memref<1x128xi32, #tpu.memory_space<vmem>> -> memref<128xi32, #tpu.memory_space<vmem>>
          %dma_start3A_102 = arith.constant 0 : i32
          %dma_start3A_103 = arith.constant 0 : i32
          %dma_start3A_104 = tpu.memref_slice %arg4[%dma_start3A_102, %dma_start3A_103] : memref<10240x128xf32, #tpu.memory_space<hbm>> -> memref<10240x128xf32, #tpu.memory_space<hbm>>
          tpu.enqueue_indirect_dma source(%dma_start3A_104 : memref<10240x128xf32, #tpu.memory_space<hbm>>) target(%arg9 : memref<128x128xf32, #tpu.memory_space<vmem>>) offsets(%dma_start3A_101 : memref<128xi32, #tpu.memory_space<vmem>>) semaphore(%arg12 : memref<!tpu.dma_semaphore, #tpu.memory_space<semaphore_mem>>)
        } else {
        }
        %dma_wait3A_75 = arith.constant 0 : i32
        %dma_wait3A_76 = arith.constant 0 : i32
        %dma_wait3A_77 = tpu.memref_slice %arg7[%dma_wait3A_75, %dma_wait3A_76] : memref<8x128xi32, #tpu.memory_space<vmem>> -> memref<1x128xi32, #tpu.memory_space<vmem>>
        %dma_wait3A_78 = tpu.memref_squeeze %dma_wait3A_77 : memref<1x128xi32, #tpu.memory_space<vmem>> -> memref<128xi32, #tpu.memory_space<vmem>>
        %dma_wait3A_79 = arith.constant 0 : i32
        %dma_wait3A_80 = arith.constant 0 : i32
        %dma_wait3A_81 = tpu.memref_slice %arg4[%dma_wait3A_79, %dma_wait3A_80] : memref<10240x128xf32, #tpu.memory_space<hbm>> -> memref<10240x128xf32, #tpu.memory_space<hbm>>
        tpu.wait_indirect_dma semaphore(%arg13 : memref<!tpu.dma_semaphore, #tpu.memory_space<semaphore_mem>>) src(%dma_wait3A_81 : memref<10240x128xf32, #tpu.memory_space<hbm>>) dst(%arg10 : memref<128x128xf32, #tpu.memory_space<vmem>>)
        %add3A_82 = arith.constant 1 : i32
        %add3A_83 = arith.addi %mul3A_42, %add3A_82 : i32
        %dma_start3A_84 = arith.constant 0 : i32
        %dma_start3A_85 = tpu.memref_slice %arg8[%add3A_83, %dma_start3A_84] : memref<8x128xi32, #tpu.memory_space<vmem>> -> memref<1x128xi32, #tpu.memory_space<vmem>>
        %dma_start3A_86 = tpu.memref_squeeze %dma_start3A_85 : memref<1x128xi32, #tpu.memory_space<vmem>> -> memref<128xi32, #tpu.memory_space<vmem>>
        %dma_start3A_87 = arith.constant 0 : i32
        %dma_start3A_88 = arith.constant 0 : i32
        %dma_start3A_89 = tpu.memref_slice %arg11[%dma_start3A_87, %dma_start3A_88] : memref<10240x128xf32, #tpu.memory_space<vmem_shared>> -> memref<10240x128xf32, #tpu.memory_space<vmem_shared>>
        tpu.enqueue_indirect_dma source(%arg10 : memref<128x128xf32, #tpu.memory_space<vmem>>) target(%dma_start3A_89 : memref<10240x128xf32, #tpu.memory_space<vmem_shared>>) offsets(%dma_start3A_86 : memref<128xi32, #tpu.memory_space<vmem>>) semaphore(%arg15 : memref<!tpu.dma_semaphore, #tpu.memory_space<semaphore_mem>>) {add = true}
        %dma_wait3A_90 = arith.constant 0 : i32
        %dma_wait3A_91 = arith.constant 0 : i32
        %dma_wait3A_92 = tpu.memref_slice %arg8[%dma_wait3A_90, %dma_wait3A_91] : memref<8x128xi32, #tpu.memory_space<vmem>> -> memref<1x128xi32, #tpu.memory_space<vmem>>
        %dma_wait3A_93 = tpu.memref_squeeze %dma_wait3A_92 : memref<1x128xi32, #tpu.memory_space<vmem>> -> memref<128xi32, #tpu.memory_space<vmem>>
        %dma_wait3A_94 = arith.constant 0 : i32
        %dma_wait3A_95 = arith.constant 0 : i32
        %dma_wait3A_96 = tpu.memref_slice %arg11[%dma_wait3A_94, %dma_wait3A_95] : memref<10240x128xf32, #tpu.memory_space<vmem_shared>> -> memref<10240x128xf32, #tpu.memory_space<vmem_shared>>
        tpu.wait_indirect_dma semaphore(%arg15 : memref<!tpu.dma_semaphore, #tpu.memory_space<semaphore_mem>>) src(%arg10 : memref<128x128xf32, #tpu.memory_space<vmem>>) dst(%dma_wait3A_96 : memref<10240x128xf32, #tpu.memory_space<vmem_shared>>)
      }
      %scan3A_39 = arith.constant 4 : i32
    }
    %while3A_22 = arith.constant 1 : i32
    scf.for %while3A_24 = %while3A_20 to %while3A_16 step %while3A_22  : i32 {
      %mul3A_25 = arith.constant 8 : i32
      %mul3A_26 = arith.muli %while3A_24, %mul3A_25 : i32
      %add3A_27 = arith.addi %add3A, %mul3A_26 : i32
      "tpu.region"() ({
        %run_scoped3A = tpu.sem_alloc : memref<!tpu.dma_semaphore, #tpu.memory_space<semaphore_mem>>
        %dma_start3A_40 = arith.constant 0 : i32
        %dma_start3A_41 = tpu.memref_slice %arg2[%add3A_27, %dma_start3A_40] : memref<2560x128xi32, #tpu.memory_space<hbm>> -> memref<8x128xi32, #tpu.memory_space<hbm>>
        %dma_start3A_42 = arith.constant 0 : i32
        %dma_start3A_43 = tpu.memref_slice %arg2[%add3A_27, %dma_start3A_42] : memref<2560x128xi32, #tpu.memory_space<hbm>> -> memref<8x128xi32, #tpu.memory_space<hbm>>
        tpu.enqueue_dma source(%dma_start3A_43 : memref<8x128xi32, #tpu.memory_space<hbm>>) target(%arg7 : memref<8x128xi32, #tpu.memory_space<vmem>>) target_semaphore(%run_scoped3A : memref<!tpu.dma_semaphore, #tpu.memory_space<semaphore_mem>>)
        %dma_wait3A_44 = arith.constant 0 : i32
        %dma_wait3A_45 = tpu.memref_slice %arg2[%add3A_27, %dma_wait3A_44] : memref<2560x128xi32, #tpu.memory_space<hbm>> -> memref<8x128xi32, #tpu.memory_space<hbm>>
        %dma_wait3A_46 = arith.constant 0 : i32
        %dma_wait3A_47 = tpu.memref_slice %arg2[%add3A_27, %dma_wait3A_46] : memref<2560x128xi32, #tpu.memory_space<hbm>> -> memref<8x128xi32, #tpu.memory_space<hbm>>
        tpu.wait_dma2 semaphore(%run_scoped3A : memref<!tpu.dma_semaphore, #tpu.memory_space<semaphore_mem>>) src(%dma_wait3A_47 : memref<8x128xi32, #tpu.memory_space<hbm>>) dst(%arg7 : memref<8x128xi32, #tpu.memory_space<vmem>>)
        tpu.yield
      }) : () -> ()
      "tpu.region"() ({
        %run_scoped3A = tpu.sem_alloc : memref<!tpu.dma_semaphore, #tpu.memory_space<semaphore_mem>>
        %dma_start3A_40 = arith.constant 0 : i32
        %dma_start3A_41 = tpu.memref_slice %arg3[%add3A_27, %dma_start3A_40] : memref<2560x128xi32, #tpu.memory_space<hbm>> -> memref<8x128xi32, #tpu.memory_space<hbm>>
        %dma_start3A_42 = arith.constant 0 : i32
        %dma_start3A_43 = tpu.memref_slice %arg3[%add3A_27, %dma_start3A_42] : memref<2560x128xi32, #tpu.memory_space<hbm>> -> memref<8x128xi32, #tpu.memory_space<hbm>>
        tpu.enqueue_dma source(%dma_start3A_43 : memref<8x128xi32, #tpu.memory_space<hbm>>) target(%arg8 : memref<8x128xi32, #tpu.memory_space<vmem>>) target_semaphore(%run_scoped3A : memref<!tpu.dma_semaphore, #tpu.memory_space<semaphore_mem>>)
        %dma_wait3A_44 = arith.constant 0 : i32
        %dma_wait3A_45 = tpu.memref_slice %arg3[%add3A_27, %dma_wait3A_44] : memref<2560x128xi32, #tpu.memory_space<hbm>> -> memref<8x128xi32, #tpu.memory_space<hbm>>
        %dma_wait3A_46 = arith.constant 0 : i32
        %dma_wait3A_47 = tpu.memref_slice %arg3[%add3A_27, %dma_wait3A_46] : memref<2560x128xi32, #tpu.memory_space<hbm>> -> memref<8x128xi32, #tpu.memory_space<hbm>>
        tpu.wait_dma2 semaphore(%run_scoped3A : memref<!tpu.dma_semaphore, #tpu.memory_space<semaphore_mem>>) src(%dma_wait3A_47 : memref<8x128xi32, #tpu.memory_space<hbm>>) dst(%arg8 : memref<8x128xi32, #tpu.memory_space<vmem>>)
        tpu.yield
      }) : () -> ()
      %dma_start3A_28 = arith.constant 0 : i32
      %dma_start3A_29 = arith.constant 0 : i32
      %dma_start3A_30 = tpu.memref_slice %arg7[%dma_start3A_28, %dma_start3A_29] : memref<8x128xi32, #tpu.memory_space<vmem>> -> memref<1x128xi32, #tpu.memory_space<vmem>>
      %dma_start3A_31 = tpu.memref_squeeze %dma_start3A_30 : memref<1x128xi32, #tpu.memory_space<vmem>> -> memref<128xi32, #tpu.memory_space<vmem>>
      %dma_start3A_32 = arith.constant 0 : i32
      %dma_start3A_33 = arith.constant 0 : i32
      %dma_start3A_34 = tpu.memref_slice %arg4[%dma_start3A_32, %dma_start3A_33] : memref<10240x128xf32, #tpu.memory_space<hbm>> -> memref<10240x128xf32, #tpu.memory_space<hbm>>
      tpu.enqueue_indirect_dma source(%dma_start3A_34 : memref<10240x128xf32, #tpu.memory_space<hbm>>) target(%arg9 : memref<128x128xf32, #tpu.memory_space<vmem>>) offsets(%dma_start3A_31 : memref<128xi32, #tpu.memory_space<vmem>>) semaphore(%arg12 : memref<!tpu.dma_semaphore, #tpu.memory_space<semaphore_mem>>)
      %scan3A = arith.constant 0 : i32
      %scan3A_35 = arith.constant 0 : i32
      %scan3A_36 = arith.constant 4 : i32
      %scan3A_37 = arith.addi %scan3A_35, %scan3A_36 : i32
      %scan3A_38 = arith.constant 1 : i32
      scf.for %scan3A_40 = %scan3A_35 to %scan3A_37 step %scan3A_38  : i32 {
        %mul3A_41 = arith.constant 2 : i32
        %mul3A_42 = arith.muli %mul3A_41, %scan3A_40 : i32
        %add3A_43 = arith.constant 1 : i32
        %add3A_44 = arith.addi %mul3A_42, %add3A_43 : i32
        %dma_start3A_45 = arith.constant 0 : i32
        %dma_start3A_46 = tpu.memref_slice %arg7[%add3A_44, %dma_start3A_45] : memref<8x128xi32, #tpu.memory_space<vmem>> -> memref<1x128xi32, #tpu.memory_space<vmem>>
        %dma_start3A_47 = tpu.memref_squeeze %dma_start3A_46 : memref<1x128xi32, #tpu.memory_space<vmem>> -> memref<128xi32, #tpu.memory_space<vmem>>
        %dma_start3A_48 = arith.constant 0 : i32
        %dma_start3A_49 = arith.constant 0 : i32
        %dma_start3A_50 = tpu.memref_slice %arg4[%dma_start3A_48, %dma_start3A_49] : memref<10240x128xf32, #tpu.memory_space<hbm>> -> memref<10240x128xf32, #tpu.memory_space<hbm>>
        tpu.enqueue_indirect_dma source(%dma_start3A_50 : memref<10240x128xf32, #tpu.memory_space<hbm>>) target(%arg10 : memref<128x128xf32, #tpu.memory_space<vmem>>) offsets(%dma_start3A_47 : memref<128xi32, #tpu.memory_space<vmem>>) semaphore(%arg13 : memref<!tpu.dma_semaphore, #tpu.memory_space<semaphore_mem>>)
        %dma_wait3A_51 = arith.constant 0 : i32
        %dma_wait3A_52 = arith.constant 0 : i32
        %dma_wait3A_53 = tpu.memref_slice %arg7[%dma_wait3A_51, %dma_wait3A_52] : memref<8x128xi32, #tpu.memory_space<vmem>> -> memref<1x128xi32, #tpu.memory_space<vmem>>
        %dma_wait3A_54 = tpu.memref_squeeze %dma_wait3A_53 : memref<1x128xi32, #tpu.memory_space<vmem>> -> memref<128xi32, #tpu.memory_space<vmem>>
        %dma_wait3A_55 = arith.constant 0 : i32
        %dma_wait3A_56 = arith.constant 0 : i32
        %dma_wait3A_57 = tpu.memref_slice %arg4[%dma_wait3A_55, %dma_wait3A_56] : memref<10240x128xf32, #tpu.memory_space<hbm>> -> memref<10240x128xf32, #tpu.memory_space<hbm>>
        tpu.wait_indirect_dma semaphore(%arg12 : memref<!tpu.dma_semaphore, #tpu.memory_space<semaphore_mem>>) src(%dma_wait3A_57 : memref<10240x128xf32, #tpu.memory_space<hbm>>) dst(%arg9 : memref<128x128xf32, #tpu.memory_space<vmem>>)
        %dma_start3A_58 = arith.constant 0 : i32
        %dma_start3A_59 = tpu.memref_slice %arg8[%mul3A_42, %dma_start3A_58] : memref<8x128xi32, #tpu.memory_space<vmem>> -> memref<1x128xi32, #tpu.memory_space<vmem>>
        %dma_start3A_60 = tpu.memref_squeeze %dma_start3A_59 : memref<1x128xi32, #tpu.memory_space<vmem>> -> memref<128xi32, #tpu.memory_space<vmem>>
        %dma_start3A_61 = arith.constant 0 : i32
        %dma_start3A_62 = arith.constant 0 : i32
        %dma_start3A_63 = tpu.memref_slice %arg11[%dma_start3A_61, %dma_start3A_62] : memref<10240x128xf32, #tpu.memory_space<vmem_shared>> -> memref<10240x128xf32, #tpu.memory_space<vmem_shared>>
        tpu.enqueue_indirect_dma source(%arg9 : memref<128x128xf32, #tpu.memory_space<vmem>>) target(%dma_start3A_63 : memref<10240x128xf32, #tpu.memory_space<vmem_shared>>) offsets(%dma_start3A_60 : memref<128xi32, #tpu.memory_space<vmem>>) semaphore(%arg14 : memref<!tpu.dma_semaphore, #tpu.memory_space<semaphore_mem>>) {add = true}
        %dma_wait3A_64 = arith.constant 0 : i32
        %dma_wait3A_65 = arith.constant 0 : i32
        %dma_wait3A_66 = tpu.memref_slice %arg8[%dma_wait3A_64, %dma_wait3A_65] : memref<8x128xi32, #tpu.memory_space<vmem>> -> memref<1x128xi32, #tpu.memory_space<vmem>>
        %dma_wait3A_67 = tpu.memref_squeeze %dma_wait3A_66 : memref<1x128xi32, #tpu.memory_space<vmem>> -> memref<128xi32, #tpu.memory_space<vmem>>
        %dma_wait3A_68 = arith.constant 0 : i32
        %dma_wait3A_69 = arith.constant 0 : i32
        %dma_wait3A_70 = tpu.memref_slice %arg11[%dma_wait3A_68, %dma_wait3A_69] : memref<10240x128xf32, #tpu.memory_space<vmem_shared>> -> memref<10240x128xf32, #tpu.memory_space<vmem_shared>>
        tpu.wait_indirect_dma semaphore(%arg14 : memref<!tpu.dma_semaphore, #tpu.memory_space<semaphore_mem>>) src(%arg9 : memref<128x128xf32, #tpu.memory_space<vmem>>) dst(%dma_wait3A_70 : memref<10240x128xf32, #tpu.memory_space<vmem_shared>>)
        %add3A_71 = arith.constant 1 : i32
        %add3A_72 = arith.addi %scan3A_40, %add3A_71 : i32
        %lt3A = arith.constant 4 : i32
        %lt3A_73 = arith.cmpi slt, %add3A_72, %lt3A : i32
        %convert_element_type3A = arith.extui %lt3A_73 : i1 to i32
        %cond3A = arith.constant 0 : i32
        %cond3A_74 = arith.cmpi ne, %convert_element_type3A, %cond3A : i32
        scf.if %cond3A_74 {
          %add3A_97 = arith.constant 2 : i32
          %add3A_98 = arith.addi %mul3A_42, %add3A_97 : i32
          %dma_start3A_99 = arith.constant 0 : i32
          %dma_start3A_100 = tpu.memref_slice %arg7[%add3A_98, %dma_start3A_99] : memref<8x128xi32, #tpu.memory_space<vmem>> -> memref<1x128xi32, #tpu.memory_space<vmem>>
          %dma_start3A_101 = tpu.memref_squeeze %dma_start3A_100 : memref<1x128xi32, #tpu.memory_space<vmem>> -> memref<128xi32, #tpu.memory_space<vmem>>
          %dma_start3A_102 = arith.constant 0 : i32
          %dma_start3A_103 = arith.constant 0 : i32
          %dma_start3A_104 = tpu.memref_slice %arg4[%dma_start3A_102, %dma_start3A_103] : memref<10240x128xf32, #tpu.memory_space<hbm>> -> memref<10240x128xf32, #tpu.memory_space<hbm>>
          tpu.enqueue_indirect_dma source(%dma_start3A_104 : memref<10240x128xf32, #tpu.memory_space<hbm>>) target(%arg9 : memref<128x128xf32, #tpu.memory_space<vmem>>) offsets(%dma_start3A_101 : memref<128xi32, #tpu.memory_space<vmem>>) semaphore(%arg12 : memref<!tpu.dma_semaphore, #tpu.memory_space<semaphore_mem>>)
        } else {
        }
        %dma_wait3A_75 = arith.constant 0 : i32
        %dma_wait3A_76 = arith.constant 0 : i32
        %dma_wait3A_77 = tpu.memref_slice %arg7[%dma_wait3A_75, %dma_wait3A_76] : memref<8x128xi32, #tpu.memory_space<vmem>> -> memref<1x128xi32, #tpu.memory_space<vmem>>
        %dma_wait3A_78 = tpu.memref_squeeze %dma_wait3A_77 : memref<1x128xi32, #tpu.memory_space<vmem>> -> memref<128xi32, #tpu.memory_space<vmem>>
        %dma_wait3A_79 = arith.constant 0 : i32
        %dma_wait3A_80 = arith.constant 0 : i32
        %dma_wait3A_81 = tpu.memref_slice %arg4[%dma_wait3A_79, %dma_wait3A_80] : memref<10240x128xf32, #tpu.memory_space<hbm>> -> memref<10240x128xf32, #tpu.memory_space<hbm>>
        tpu.wait_indirect_dma semaphore(%arg13 : memref<!tpu.dma_semaphore, #tpu.memory_space<semaphore_mem>>) src(%dma_wait3A_81 : memref<10240x128xf32, #tpu.memory_space<hbm>>) dst(%arg10 : memref<128x128xf32, #tpu.memory_space<vmem>>)
        %add3A_82 = arith.constant 1 : i32
        %add3A_83 = arith.addi %mul3A_42, %add3A_82 : i32
        %dma_start3A_84 = arith.constant 0 : i32
        %dma_start3A_85 = tpu.memref_slice %arg8[%add3A_83, %dma_start3A_84] : memref<8x128xi32, #tpu.memory_space<vmem>> -> memref<1x128xi32, #tpu.memory_space<vmem>>
        %dma_start3A_86 = tpu.memref_squeeze %dma_start3A_85 : memref<1x128xi32, #tpu.memory_space<vmem>> -> memref<128xi32, #tpu.memory_space<vmem>>
        %dma_start3A_87 = arith.constant 0 : i32
        %dma_start3A_88 = arith.constant 0 : i32
        %dma_start3A_89 = tpu.memref_slice %arg11[%dma_start3A_87, %dma_start3A_88] : memref<10240x128xf32, #tpu.memory_space<vmem_shared>> -> memref<10240x128xf32, #tpu.memory_space<vmem_shared>>
        tpu.enqueue_indirect_dma source(%arg10 : memref<128x128xf32, #tpu.memory_space<vmem>>) target(%dma_start3A_89 : memref<10240x128xf32, #tpu.memory_space<vmem_shared>>) offsets(%dma_start3A_86 : memref<128xi32, #tpu.memory_space<vmem>>) semaphore(%arg15 : memref<!tpu.dma_semaphore, #tpu.memory_space<semaphore_mem>>) {add = true}
        %dma_wait3A_90 = arith.constant 0 : i32
        %dma_wait3A_91 = arith.constant 0 : i32
        %dma_wait3A_92 = tpu.memref_slice %arg8[%dma_wait3A_90, %dma_wait3A_91] : memref<8x128xi32, #tpu.memory_space<vmem>> -> memref<1x128xi32, #tpu.memory_space<vmem>>
        %dma_wait3A_93 = tpu.memref_squeeze %dma_wait3A_92 : memref<1x128xi32, #tpu.memory_space<vmem>> -> memref<128xi32, #tpu.memory_space<vmem>>
        %dma_wait3A_94 = arith.constant 0 : i32
        %dma_wait3A_95 = arith.constant 0 : i32
        %dma_wait3A_96 = tpu.memref_slice %arg11[%dma_wait3A_94, %dma_wait3A_95] : memref<10240x128xf32, #tpu.memory_space<vmem_shared>> -> memref<10240x128xf32, #tpu.memory_space<vmem_shared>>
        tpu.wait_indirect_dma semaphore(%arg15 : memref<!tpu.dma_semaphore, #tpu.memory_space<semaphore_mem>>) src(%arg10 : memref<128x128xf32, #tpu.memory_space<vmem>>) dst(%dma_wait3A_96 : memref<10240x128xf32, #tpu.memory_space<vmem_shared>>)
      }
      %scan3A_39 = arith.constant 4 : i32
    }
    %barrier3A_23 = arith.constant 0 : index
    tpu.barrier barrier_id(%barrier3A_23)
    "tpu.region"() ({
      %run_scoped3A = tpu.sem_alloc : memref<!tpu.dma_semaphore, #tpu.memory_space<semaphore_mem>>
      %dma_start3A_24 = arith.constant 0 : i32
      %dma_start3A_25 = tpu.memref_slice %arg6[%arg0, %mul3A_0, %dma_start3A_24] : memref<2x10240x128xf32, #tpu.memory_space<hbm>> -> memref<1x640x128xf32, #tpu.memory_space<hbm>>
      %dma_start3A_26 = tpu.memref_squeeze %dma_start3A_25 : memref<1x640x128xf32, #tpu.memory_space<hbm>> -> memref<640x128xf32, #tpu.memory_space<hbm>>
      %dma_start3A_27 = arith.constant 0 : i32
      %dma_start3A_28 = tpu.memref_slice %arg11[%mul3A_0, %dma_start3A_27] : memref<10240x128xf32, #tpu.memory_space<vmem_shared>> -> memref<640x128xf32, #tpu.memory_space<vmem_shared>>
      tpu.enqueue_dma source(%dma_start3A_28 : memref<640x128xf32, #tpu.memory_space<vmem_shared>>) target(%dma_start3A_26 : memref<640x128xf32, #tpu.memory_space<hbm>>) target_semaphore(%run_scoped3A : memref<!tpu.dma_semaphore, #tpu.memory_space<semaphore_mem>>)
      %dma_wait3A_29 = arith.constant 0 : i32
      %dma_wait3A_30 = tpu.memref_slice %arg6[%arg0, %mul3A_0, %dma_wait3A_29] : memref<2x10240x128xf32, #tpu.memory_space<hbm>> -> memref<1x640x128xf32, #tpu.memory_space<hbm>>
      %dma_wait3A_31 = tpu.memref_squeeze %dma_wait3A_30 : memref<1x640x128xf32, #tpu.memory_space<hbm>> -> memref<640x128xf32, #tpu.memory_space<hbm>>
      %dma_wait3A_32 = arith.constant 0 : i32
      %dma_wait3A_33 = tpu.memref_slice %arg11[%mul3A_0, %dma_wait3A_32] : memref<10240x128xf32, #tpu.memory_space<vmem_shared>> -> memref<640x128xf32, #tpu.memory_space<vmem_shared>>
      tpu.wait_dma2 semaphore(%run_scoped3A : memref<!tpu.dma_semaphore, #tpu.memory_space<semaphore_mem>>) src(%dma_wait3A_33 : memref<640x128xf32, #tpu.memory_space<vmem_shared>>) dst(%dma_wait3A_31 : memref<640x128xf32, #tpu.memory_space<hbm>>)
      tpu.yield
    }) : () -> ()
    return
  }
}

#map = affine_map<(d0, d1) -> (0, 0)>
#map1 = affine_map<(d0, d1) -> (0, 0, 0)>
module attributes {stable_mosaic.version = 14 : i64} {
  func.func @_edge_scatter(%arg0: i32, %arg1: i32, %arg2: memref<2560x128xi32, #tpu.memory_space<hbm>>, %arg3: memref<2560x128xi32, #tpu.memory_space<hbm>>, %arg4: memref<10240x128xf32, #tpu.memory_space<hbm>>, %arg5: memref<10240x128xf32, #tpu.memory_space<hbm>>, %arg6: memref<2x10240x128xf32, #tpu.memory_space<hbm>>, %arg7: memref<8x128xi32, #tpu.memory_space<vmem>>, %arg8: memref<8x128xi32, #tpu.memory_space<vmem>>, %arg9: memref<128x128xf32, #tpu.memory_space<vmem>>, %arg10: memref<128x128xf32, #tpu.memory_space<vmem>>, %arg11: memref<10240x128xf32, #tpu.memory_space<vmem_shared>>, %arg12: memref<!tpu.dma_semaphore, #tpu.memory_space<semaphore_mem>>, %arg13: memref<!tpu.dma_semaphore, #tpu.memory_space<semaphore_mem>>, %arg14: memref<!tpu.dma_semaphore, #tpu.memory_space<semaphore_mem>>, %arg15: memref<!tpu.dma_semaphore, #tpu.memory_space<semaphore_mem>>, %arg16: memref<!tpu.dma_semaphore, #tpu.memory_space<semaphore_mem>>) attributes {dimension_semantics = [#tpu.dimension_semantics<core_parallel>, #tpu.dimension_semantics<subcore_parallel>], iteration_bounds = array<i64: 2, 16>, scalar_prefetch = 0 : i64, scratch_operands = 10 : i64, tpu.core_type = #tpu.core_type<sc_vector_subcore>, window_params = [{transform_indices = #map}, {transform_indices = #map}, {transform_indices = #map}, {transform_indices = #map}, {transform_indices = #map1}]} {
    %mul3A = arith.constant 640 : i32
    %mul3A_0 = arith.muli %arg1, %mul3A : i32
    %mul3A_1 = arith.constant 160 : i32
    %mul3A_2 = arith.muli %arg1, %mul3A_1 : i32
    %mul3A_3 = arith.constant 128 : i32
    %mul3A_4 = arith.muli %arg0, %mul3A_3 : i32
    %add3A = arith.addi %mul3A_2, %mul3A_4 : i32
    %eq3A = arith.constant 0 : i32
    %eq3A_5 = arith.cmpi eq, %arg0, %eq3A : i32
    %select_n3A = arith.constant 4 : i32
    %select_n3A_6 = arith.constant 16 : i32
    %select_n3A_7 = arith.select %eq3A_5, %select_n3A_6, %select_n3A : i32
    %dma_start3A = arith.constant 0 : i32
    %dma_start3A_8 = tpu.memref_slice %arg11[%mul3A_0, %dma_start3A] : memref<10240x128xf32, #tpu.memory_space<vmem_shared>> -> memref<640x128xf32, #tpu.memory_space<vmem_shared>>
    %dma_start3A_9 = arith.constant 0 : i32
    %dma_start3A_10 = tpu.memref_slice %arg5[%mul3A_0, %dma_start3A_9] : memref<10240x128xf32, #tpu.memory_space<hbm>> -> memref<640x128xf32, #tpu.memory_space<hbm>>
    tpu.enqueue_dma source(%dma_start3A_10 : memref<640x128xf32, #tpu.memory_space<hbm>>) target(%dma_start3A_8 : memref<640x128xf32, #tpu.memory_space<vmem_shared>>) target_semaphore(%arg16 : memref<!tpu.dma_semaphore, #tpu.memory_space<semaphore_mem>>)
    %dma_wait3A = arith.constant 0 : i32
    %dma_wait3A_11 = tpu.memref_slice %arg11[%mul3A_0, %dma_wait3A] : memref<10240x128xf32, #tpu.memory_space<vmem_shared>> -> memref<640x128xf32, #tpu.memory_space<vmem_shared>>
    %dma_wait3A_12 = arith.constant 0 : i32
    %dma_wait3A_13 = tpu.memref_slice %arg5[%mul3A_0, %dma_wait3A_12] : memref<10240x128xf32, #tpu.memory_space<hbm>> -> memref<640x128xf32, #tpu.memory_space<hbm>>
    tpu.wait_dma2 semaphore(%arg16 : memref<!tpu.dma_semaphore, #tpu.memory_space<semaphore_mem>>) src(%dma_wait3A_13 : memref<640x128xf32, #tpu.memory_space<hbm>>) dst(%dma_wait3A_11 : memref<640x128xf32, #tpu.memory_space<vmem_shared>>)
    %barrier3A = arith.constant 0 : index
    tpu.barrier barrier_id(%barrier3A)
    %while3A = arith.constant 0 : i32
    %while3A_14 = arith.constant 0 : i32
    %while3A_15 = arith.subi %select_n3A_7, %while3A_14 : i32
    %while3A_16 = arith.addi %while3A_14, %while3A_15 : i32
    %while3A_17 = arith.constant 1 : i32
    %while3A_18 = arith.divsi %while3A_15, %while3A_17 : i32
    %while3A_19 = arith.muli %while3A_18, %while3A_17 : i32
    %while3A_20 = arith.addi %while3A_14, %while3A_19 : i32
    %while3A_21 = arith.constant 1 : i32
    scf.for %while3A_24 = %while3A_14 to %while3A_20 step %while3A_21  : i32 {
      %mul3A_25 = arith.constant 8 : i32
      %mul3A_26 = arith.muli %while3A_24, %mul3A_25 : i32
      %add3A_27 = arith.addi %add3A, %mul3A_26 : i32
      "tpu.region"() ({
        %run_scoped3A = tpu.sem_alloc : memref<!tpu.dma_semaphore, #tpu.memory_space<semaphore_mem>>
        %dma_start3A_40 = arith.constant 0 : i32
        %dma_start3A_41 = tpu.memref_slice %arg2[%add3A_27, %dma_start3A_40] : memref<2560x128xi32, #tpu.memory_space<hbm>> -> memref<8x128xi32, #tpu.memory_space<hbm>>
        %dma_start3A_42 = arith.constant 0 : i32
        %dma_start3A_43 = tpu.memref_slice %arg2[%add3A_27, %dma_start3A_42] : memref<2560x128xi32, #tpu.memory_space<hbm>> -> memref<8x128xi32, #tpu.memory_space<hbm>>
        tpu.enqueue_dma source(%dma_start3A_43 : memref<8x128xi32, #tpu.memory_space<hbm>>) target(%arg7 : memref<8x128xi32, #tpu.memory_space<vmem>>) target_semaphore(%run_scoped3A : memref<!tpu.dma_semaphore, #tpu.memory_space<semaphore_mem>>)
        %dma_wait3A_44 = arith.constant 0 : i32
        %dma_wait3A_45 = tpu.memref_slice %arg2[%add3A_27, %dma_wait3A_44] : memref<2560x128xi32, #tpu.memory_space<hbm>> -> memref<8x128xi32, #tpu.memory_space<hbm>>
        %dma_wait3A_46 = arith.constant 0 : i32
        %dma_wait3A_47 = tpu.memref_slice %arg2[%add3A_27, %dma_wait3A_46] : memref<2560x128xi32, #tpu.memory_space<hbm>> -> memref<8x128xi32, #tpu.memory_space<hbm>>
        tpu.wait_dma2 semaphore(%run_scoped3A : memref<!tpu.dma_semaphore, #tpu.memory_space<semaphore_mem>>) src(%dma_wait3A_47 : memref<8x128xi32, #tpu.memory_space<hbm>>) dst(%arg7 : memref<8x128xi32, #tpu.memory_space<vmem>>)
        tpu.yield
      }) : () -> ()
      "tpu.region"() ({
        %run_scoped3A = tpu.sem_alloc : memref<!tpu.dma_semaphore, #tpu.memory_space<semaphore_mem>>
        %dma_start3A_40 = arith.constant 0 : i32
        %dma_start3A_41 = tpu.memref_slice %arg3[%add3A_27, %dma_start3A_40] : memref<2560x128xi32, #tpu.memory_space<hbm>> -> memref<8x128xi32, #tpu.memory_space<hbm>>
        %dma_start3A_42 = arith.constant 0 : i32
        %dma_start3A_43 = tpu.memref_slice %arg3[%add3A_27, %dma_start3A_42] : memref<2560x128xi32, #tpu.memory_space<hbm>> -> memref<8x128xi32, #tpu.memory_space<hbm>>
        tpu.enqueue_dma source(%dma_start3A_43 : memref<8x128xi32, #tpu.memory_space<hbm>>) target(%arg8 : memref<8x128xi32, #tpu.memory_space<vmem>>) target_semaphore(%run_scoped3A : memref<!tpu.dma_semaphore, #tpu.memory_space<semaphore_mem>>)
        %dma_wait3A_44 = arith.constant 0 : i32
        %dma_wait3A_45 = tpu.memref_slice %arg3[%add3A_27, %dma_wait3A_44] : memref<2560x128xi32, #tpu.memory_space<hbm>> -> memref<8x128xi32, #tpu.memory_space<hbm>>
        %dma_wait3A_46 = arith.constant 0 : i32
        %dma_wait3A_47 = tpu.memref_slice %arg3[%add3A_27, %dma_wait3A_46] : memref<2560x128xi32, #tpu.memory_space<hbm>> -> memref<8x128xi32, #tpu.memory_space<hbm>>
        tpu.wait_dma2 semaphore(%run_scoped3A : memref<!tpu.dma_semaphore, #tpu.memory_space<semaphore_mem>>) src(%dma_wait3A_47 : memref<8x128xi32, #tpu.memory_space<hbm>>) dst(%arg8 : memref<8x128xi32, #tpu.memory_space<vmem>>)
        tpu.yield
      }) : () -> ()
      %dma_start3A_28 = arith.constant 0 : i32
      %dma_start3A_29 = arith.constant 0 : i32
      %dma_start3A_30 = tpu.memref_slice %arg7[%dma_start3A_28, %dma_start3A_29] : memref<8x128xi32, #tpu.memory_space<vmem>> -> memref<1x128xi32, #tpu.memory_space<vmem>>
      %dma_start3A_31 = tpu.memref_squeeze %dma_start3A_30 : memref<1x128xi32, #tpu.memory_space<vmem>> -> memref<128xi32, #tpu.memory_space<vmem>>
      %dma_start3A_32 = arith.constant 0 : i32
      %dma_start3A_33 = arith.constant 0 : i32
      %dma_start3A_34 = tpu.memref_slice %arg4[%dma_start3A_32, %dma_start3A_33] : memref<10240x128xf32, #tpu.memory_space<hbm>> -> memref<10240x128xf32, #tpu.memory_space<hbm>>
      tpu.enqueue_indirect_dma source(%dma_start3A_34 : memref<10240x128xf32, #tpu.memory_space<hbm>>) target(%arg9 : memref<128x128xf32, #tpu.memory_space<vmem>>) offsets(%dma_start3A_31 : memref<128xi32, #tpu.memory_space<vmem>>) semaphore(%arg12 : memref<!tpu.dma_semaphore, #tpu.memory_space<semaphore_mem>>)
      %scan3A = arith.constant 0 : i32
      %scan3A_35 = arith.constant 0 : i32
      %scan3A_36 = arith.constant 4 : i32
      %scan3A_37 = arith.addi %scan3A_35, %scan3A_36 : i32
      %scan3A_38 = arith.constant 1 : i32
      scf.for %scan3A_40 = %scan3A_35 to %scan3A_37 step %scan3A_38  : i32 {
        %mul3A_41 = arith.constant 2 : i32
        %mul3A_42 = arith.muli %mul3A_41, %scan3A_40 : i32
        %add3A_43 = arith.constant 1 : i32
        %add3A_44 = arith.addi %mul3A_42, %add3A_43 : i32
        %dma_start3A_45 = arith.constant 0 : i32
        %dma_start3A_46 = tpu.memref_slice %arg7[%add3A_44, %dma_start3A_45] : memref<8x128xi32, #tpu.memory_space<vmem>> -> memref<1x128xi32, #tpu.memory_space<vmem>>
        %dma_start3A_47 = tpu.memref_squeeze %dma_start3A_46 : memref<1x128xi32, #tpu.memory_space<vmem>> -> memref<128xi32, #tpu.memory_space<vmem>>
        %dma_start3A_48 = arith.constant 0 : i32
        %dma_start3A_49 = arith.constant 0 : i32
        %dma_start3A_50 = tpu.memref_slice %arg4[%dma_start3A_48, %dma_start3A_49] : memref<10240x128xf32, #tpu.memory_space<hbm>> -> memref<10240x128xf32, #tpu.memory_space<hbm>>
        tpu.enqueue_indirect_dma source(%dma_start3A_50 : memref<10240x128xf32, #tpu.memory_space<hbm>>) target(%arg10 : memref<128x128xf32, #tpu.memory_space<vmem>>) offsets(%dma_start3A_47 : memref<128xi32, #tpu.memory_space<vmem>>) semaphore(%arg13 : memref<!tpu.dma_semaphore, #tpu.memory_space<semaphore_mem>>)
        %dma_wait3A_51 = arith.constant 0 : i32
        %dma_wait3A_52 = arith.constant 0 : i32
        %dma_wait3A_53 = tpu.memref_slice %arg7[%dma_wait3A_51, %dma_wait3A_52] : memref<8x128xi32, #tpu.memory_space<vmem>> -> memref<1x128xi32, #tpu.memory_space<vmem>>
        %dma_wait3A_54 = tpu.memref_squeeze %dma_wait3A_53 : memref<1x128xi32, #tpu.memory_space<vmem>> -> memref<128xi32, #tpu.memory_space<vmem>>
        %dma_wait3A_55 = arith.constant 0 : i32
        %dma_wait3A_56 = arith.constant 0 : i32
        %dma_wait3A_57 = tpu.memref_slice %arg4[%dma_wait3A_55, %dma_wait3A_56] : memref<10240x128xf32, #tpu.memory_space<hbm>> -> memref<10240x128xf32, #tpu.memory_space<hbm>>
        tpu.wait_indirect_dma semaphore(%arg12 : memref<!tpu.dma_semaphore, #tpu.memory_space<semaphore_mem>>) src(%dma_wait3A_57 : memref<10240x128xf32, #tpu.memory_space<hbm>>) dst(%arg9 : memref<128x128xf32, #tpu.memory_space<vmem>>)
        %dma_start3A_58 = arith.constant 0 : i32
        %dma_start3A_59 = tpu.memref_slice %arg8[%mul3A_42, %dma_start3A_58] : memref<8x128xi32, #tpu.memory_space<vmem>> -> memref<1x128xi32, #tpu.memory_space<vmem>>
        %dma_start3A_60 = tpu.memref_squeeze %dma_start3A_59 : memref<1x128xi32, #tpu.memory_space<vmem>> -> memref<128xi32, #tpu.memory_space<vmem>>
        %dma_start3A_61 = arith.constant 0 : i32
        %dma_start3A_62 = arith.constant 0 : i32
        %dma_start3A_63 = tpu.memref_slice %arg11[%dma_start3A_61, %dma_start3A_62] : memref<10240x128xf32, #tpu.memory_space<vmem_shared>> -> memref<10240x128xf32, #tpu.memory_space<vmem_shared>>
        tpu.enqueue_indirect_dma source(%arg9 : memref<128x128xf32, #tpu.memory_space<vmem>>) target(%dma_start3A_63 : memref<10240x128xf32, #tpu.memory_space<vmem_shared>>) offsets(%dma_start3A_60 : memref<128xi32, #tpu.memory_space<vmem>>) semaphore(%arg14 : memref<!tpu.dma_semaphore, #tpu.memory_space<semaphore_mem>>) {add = true}
        %dma_wait3A_64 = arith.constant 0 : i32
        %dma_wait3A_65 = arith.constant 0 : i32
        %dma_wait3A_66 = tpu.memref_slice %arg8[%dma_wait3A_64, %dma_wait3A_65] : memref<8x128xi32, #tpu.memory_space<vmem>> -> memref<1x128xi32, #tpu.memory_space<vmem>>
        %dma_wait3A_67 = tpu.memref_squeeze %dma_wait3A_66 : memref<1x128xi32, #tpu.memory_space<vmem>> -> memref<128xi32, #tpu.memory_space<vmem>>
        %dma_wait3A_68 = arith.constant 0 : i32
        %dma_wait3A_69 = arith.constant 0 : i32
        %dma_wait3A_70 = tpu.memref_slice %arg11[%dma_wait3A_68, %dma_wait3A_69] : memref<10240x128xf32, #tpu.memory_space<vmem_shared>> -> memref<10240x128xf32, #tpu.memory_space<vmem_shared>>
        tpu.wait_indirect_dma semaphore(%arg14 : memref<!tpu.dma_semaphore, #tpu.memory_space<semaphore_mem>>) src(%arg9 : memref<128x128xf32, #tpu.memory_space<vmem>>) dst(%dma_wait3A_70 : memref<10240x128xf32, #tpu.memory_space<vmem_shared>>)
        %add3A_71 = arith.constant 1 : i32
        %add3A_72 = arith.addi %scan3A_40, %add3A_71 : i32
        %lt3A = arith.constant 4 : i32
        %lt3A_73 = arith.cmpi slt, %add3A_72, %lt3A : i32
        %convert_element_type3A = arith.extui %lt3A_73 : i1 to i32
        %cond3A = arith.constant 0 : i32
        %cond3A_74 = arith.cmpi ne, %convert_element_type3A, %cond3A : i32
        scf.if %cond3A_74 {
          %add3A_97 = arith.constant 2 : i32
          %add3A_98 = arith.addi %mul3A_42, %add3A_97 : i32
          %dma_start3A_99 = arith.constant 0 : i32
          %dma_start3A_100 = tpu.memref_slice %arg7[%add3A_98, %dma_start3A_99] : memref<8x128xi32, #tpu.memory_space<vmem>> -> memref<1x128xi32, #tpu.memory_space<vmem>>
          %dma_start3A_101 = tpu.memref_squeeze %dma_start3A_100 : memref<1x128xi32, #tpu.memory_space<vmem>> -> memref<128xi32, #tpu.memory_space<vmem>>
          %dma_start3A_102 = arith.constant 0 : i32
          %dma_start3A_103 = arith.constant 0 : i32
          %dma_start3A_104 = tpu.memref_slice %arg4[%dma_start3A_102, %dma_start3A_103] : memref<10240x128xf32, #tpu.memory_space<hbm>> -> memref<10240x128xf32, #tpu.memory_space<hbm>>
          tpu.enqueue_indirect_dma source(%dma_start3A_104 : memref<10240x128xf32, #tpu.memory_space<hbm>>) target(%arg9 : memref<128x128xf32, #tpu.memory_space<vmem>>) offsets(%dma_start3A_101 : memref<128xi32, #tpu.memory_space<vmem>>) semaphore(%arg12 : memref<!tpu.dma_semaphore, #tpu.memory_space<semaphore_mem>>)
        } else {
        }
        %dma_wait3A_75 = arith.constant 0 : i32
        %dma_wait3A_76 = arith.constant 0 : i32
        %dma_wait3A_77 = tpu.memref_slice %arg7[%dma_wait3A_75, %dma_wait3A_76] : memref<8x128xi32, #tpu.memory_space<vmem>> -> memref<1x128xi32, #tpu.memory_space<vmem>>
        %dma_wait3A_78 = tpu.memref_squeeze %dma_wait3A_77 : memref<1x128xi32, #tpu.memory_space<vmem>> -> memref<128xi32, #tpu.memory_space<vmem>>
        %dma_wait3A_79 = arith.constant 0 : i32
        %dma_wait3A_80 = arith.constant 0 : i32
        %dma_wait3A_81 = tpu.memref_slice %arg4[%dma_wait3A_79, %dma_wait3A_80] : memref<10240x128xf32, #tpu.memory_space<hbm>> -> memref<10240x128xf32, #tpu.memory_space<hbm>>
        tpu.wait_indirect_dma semaphore(%arg13 : memref<!tpu.dma_semaphore, #tpu.memory_space<semaphore_mem>>) src(%dma_wait3A_81 : memref<10240x128xf32, #tpu.memory_space<hbm>>) dst(%arg10 : memref<128x128xf32, #tpu.memory_space<vmem>>)
        %add3A_82 = arith.constant 1 : i32
        %add3A_83 = arith.addi %mul3A_42, %add3A_82 : i32
        %dma_start3A_84 = arith.constant 0 : i32
        %dma_start3A_85 = tpu.memref_slice %arg8[%add3A_83, %dma_start3A_84] : memref<8x128xi32, #tpu.memory_space<vmem>> -> memref<1x128xi32, #tpu.memory_space<vmem>>
        %dma_start3A_86 = tpu.memref_squeeze %dma_start3A_85 : memref<1x128xi32, #tpu.memory_space<vmem>> -> memref<128xi32, #tpu.memory_space<vmem>>
        %dma_start3A_87 = arith.constant 0 : i32
        %dma_start3A_88 = arith.constant 0 : i32
        %dma_start3A_89 = tpu.memref_slice %arg11[%dma_start3A_87, %dma_start3A_88] : memref<10240x128xf32, #tpu.memory_space<vmem_shared>> -> memref<10240x128xf32, #tpu.memory_space<vmem_shared>>
        tpu.enqueue_indirect_dma source(%arg10 : memref<128x128xf32, #tpu.memory_space<vmem>>) target(%dma_start3A_89 : memref<10240x128xf32, #tpu.memory_space<vmem_shared>>) offsets(%dma_start3A_86 : memref<128xi32, #tpu.memory_space<vmem>>) semaphore(%arg15 : memref<!tpu.dma_semaphore, #tpu.memory_space<semaphore_mem>>) {add = true}
        %dma_wait3A_90 = arith.constant 0 : i32
        %dma_wait3A_91 = arith.constant 0 : i32
        %dma_wait3A_92 = tpu.memref_slice %arg8[%dma_wait3A_90, %dma_wait3A_91] : memref<8x128xi32, #tpu.memory_space<vmem>> -> memref<1x128xi32, #tpu.memory_space<vmem>>
        %dma_wait3A_93 = tpu.memref_squeeze %dma_wait3A_92 : memref<1x128xi32, #tpu.memory_space<vmem>> -> memref<128xi32, #tpu.memory_space<vmem>>
        %dma_wait3A_94 = arith.constant 0 : i32
        %dma_wait3A_95 = arith.constant 0 : i32
        %dma_wait3A_96 = tpu.memref_slice %arg11[%dma_wait3A_94, %dma_wait3A_95] : memref<10240x128xf32, #tpu.memory_space<vmem_shared>> -> memref<10240x128xf32, #tpu.memory_space<vmem_shared>>
        tpu.wait_indirect_dma semaphore(%arg15 : memref<!tpu.dma_semaphore, #tpu.memory_space<semaphore_mem>>) src(%arg10 : memref<128x128xf32, #tpu.memory_space<vmem>>) dst(%dma_wait3A_96 : memref<10240x128xf32, #tpu.memory_space<vmem_shared>>)
      }
      %scan3A_39 = arith.constant 4 : i32
    }
    %while3A_22 = arith.constant 1 : i32
    scf.for %while3A_24 = %while3A_20 to %while3A_16 step %while3A_22  : i32 {
      %mul3A_25 = arith.constant 8 : i32
      %mul3A_26 = arith.muli %while3A_24, %mul3A_25 : i32
      %add3A_27 = arith.addi %add3A, %mul3A_26 : i32
      "tpu.region"() ({
        %run_scoped3A = tpu.sem_alloc : memref<!tpu.dma_semaphore, #tpu.memory_space<semaphore_mem>>
        %dma_start3A_40 = arith.constant 0 : i32
        %dma_start3A_41 = tpu.memref_slice %arg2[%add3A_27, %dma_start3A_40] : memref<2560x128xi32, #tpu.memory_space<hbm>> -> memref<8x128xi32, #tpu.memory_space<hbm>>
        %dma_start3A_42 = arith.constant 0 : i32
        %dma_start3A_43 = tpu.memref_slice %arg2[%add3A_27, %dma_start3A_42] : memref<2560x128xi32, #tpu.memory_space<hbm>> -> memref<8x128xi32, #tpu.memory_space<hbm>>
        tpu.enqueue_dma source(%dma_start3A_43 : memref<8x128xi32, #tpu.memory_space<hbm>>) target(%arg7 : memref<8x128xi32, #tpu.memory_space<vmem>>) target_semaphore(%run_scoped3A : memref<!tpu.dma_semaphore, #tpu.memory_space<semaphore_mem>>)
        %dma_wait3A_44 = arith.constant 0 : i32
        %dma_wait3A_45 = tpu.memref_slice %arg2[%add3A_27, %dma_wait3A_44] : memref<2560x128xi32, #tpu.memory_space<hbm>> -> memref<8x128xi32, #tpu.memory_space<hbm>>
        %dma_wait3A_46 = arith.constant 0 : i32
        %dma_wait3A_47 = tpu.memref_slice %arg2[%add3A_27, %dma_wait3A_46] : memref<2560x128xi32, #tpu.memory_space<hbm>> -> memref<8x128xi32, #tpu.memory_space<hbm>>
        tpu.wait_dma2 semaphore(%run_scoped3A : memref<!tpu.dma_semaphore, #tpu.memory_space<semaphore_mem>>) src(%dma_wait3A_47 : memref<8x128xi32, #tpu.memory_space<hbm>>) dst(%arg7 : memref<8x128xi32, #tpu.memory_space<vmem>>)
        tpu.yield
      }) : () -> ()
      "tpu.region"() ({
        %run_scoped3A = tpu.sem_alloc : memref<!tpu.dma_semaphore, #tpu.memory_space<semaphore_mem>>
        %dma_start3A_40 = arith.constant 0 : i32
        %dma_start3A_41 = tpu.memref_slice %arg3[%add3A_27, %dma_start3A_40] : memref<2560x128xi32, #tpu.memory_space<hbm>> -> memref<8x128xi32, #tpu.memory_space<hbm>>
        %dma_start3A_42 = arith.constant 0 : i32
        %dma_start3A_43 = tpu.memref_slice %arg3[%add3A_27, %dma_start3A_42] : memref<2560x128xi32, #tpu.memory_space<hbm>> -> memref<8x128xi32, #tpu.memory_space<hbm>>
        tpu.enqueue_dma source(%dma_start3A_43 : memref<8x128xi32, #tpu.memory_space<hbm>>) target(%arg8 : memref<8x128xi32, #tpu.memory_space<vmem>>) target_semaphore(%run_scoped3A : memref<!tpu.dma_semaphore, #tpu.memory_space<semaphore_mem>>)
        %dma_wait3A_44 = arith.constant 0 : i32
        %dma_wait3A_45 = tpu.memref_slice %arg3[%add3A_27, %dma_wait3A_44] : memref<2560x128xi32, #tpu.memory_space<hbm>> -> memref<8x128xi32, #tpu.memory_space<hbm>>
        %dma_wait3A_46 = arith.constant 0 : i32
        %dma_wait3A_47 = tpu.memref_slice %arg3[%add3A_27, %dma_wait3A_46] : memref<2560x128xi32, #tpu.memory_space<hbm>> -> memref<8x128xi32, #tpu.memory_space<hbm>>
        tpu.wait_dma2 semaphore(%run_scoped3A : memref<!tpu.dma_semaphore, #tpu.memory_space<semaphore_mem>>) src(%dma_wait3A_47 : memref<8x128xi32, #tpu.memory_space<hbm>>) dst(%arg8 : memref<8x128xi32, #tpu.memory_space<vmem>>)
        tpu.yield
      }) : () -> ()
      %dma_start3A_28 = arith.constant 0 : i32
      %dma_start3A_29 = arith.constant 0 : i32
      %dma_start3A_30 = tpu.memref_slice %arg7[%dma_start3A_28, %dma_start3A_29] : memref<8x128xi32, #tpu.memory_space<vmem>> -> memref<1x128xi32, #tpu.memory_space<vmem>>
      %dma_start3A_31 = tpu.memref_squeeze %dma_start3A_30 : memref<1x128xi32, #tpu.memory_space<vmem>> -> memref<128xi32, #tpu.memory_space<vmem>>
      %dma_start3A_32 = arith.constant 0 : i32
      %dma_start3A_33 = arith.constant 0 : i32
      %dma_start3A_34 = tpu.memref_slice %arg4[%dma_start3A_32, %dma_start3A_33] : memref<10240x128xf32, #tpu.memory_space<hbm>> -> memref<10240x128xf32, #tpu.memory_space<hbm>>
      tpu.enqueue_indirect_dma source(%dma_start3A_34 : memref<10240x128xf32, #tpu.memory_space<hbm>>) target(%arg9 : memref<128x128xf32, #tpu.memory_space<vmem>>) offsets(%dma_start3A_31 : memref<128xi32, #tpu.memory_space<vmem>>) semaphore(%arg12 : memref<!tpu.dma_semaphore, #tpu.memory_space<semaphore_mem>>)
      %scan3A = arith.constant 0 : i32
      %scan3A_35 = arith.constant 0 : i32
      %scan3A_36 = arith.constant 4 : i32
      %scan3A_37 = arith.addi %scan3A_35, %scan3A_36 : i32
      %scan3A_38 = arith.constant 1 : i32
      scf.for %scan3A_40 = %scan3A_35 to %scan3A_37 step %scan3A_38  : i32 {
        %mul3A_41 = arith.constant 2 : i32
        %mul3A_42 = arith.muli %mul3A_41, %scan3A_40 : i32
        %add3A_43 = arith.constant 1 : i32
        %add3A_44 = arith.addi %mul3A_42, %add3A_43 : i32
        %dma_start3A_45 = arith.constant 0 : i32
        %dma_start3A_46 = tpu.memref_slice %arg7[%add3A_44, %dma_start3A_45] : memref<8x128xi32, #tpu.memory_space<vmem>> -> memref<1x128xi32, #tpu.memory_space<vmem>>
        %dma_start3A_47 = tpu.memref_squeeze %dma_start3A_46 : memref<1x128xi32, #tpu.memory_space<vmem>> -> memref<128xi32, #tpu.memory_space<vmem>>
        %dma_start3A_48 = arith.constant 0 : i32
        %dma_start3A_49 = arith.constant 0 : i32
        %dma_start3A_50 = tpu.memref_slice %arg4[%dma_start3A_48, %dma_start3A_49] : memref<10240x128xf32, #tpu.memory_space<hbm>> -> memref<10240x128xf32, #tpu.memory_space<hbm>>
        tpu.enqueue_indirect_dma source(%dma_start3A_50 : memref<10240x128xf32, #tpu.memory_space<hbm>>) target(%arg10 : memref<128x128xf32, #tpu.memory_space<vmem>>) offsets(%dma_start3A_47 : memref<128xi32, #tpu.memory_space<vmem>>) semaphore(%arg13 : memref<!tpu.dma_semaphore, #tpu.memory_space<semaphore_mem>>)
        %dma_wait3A_51 = arith.constant 0 : i32
        %dma_wait3A_52 = arith.constant 0 : i32
        %dma_wait3A_53 = tpu.memref_slice %arg7[%dma_wait3A_51, %dma_wait3A_52] : memref<8x128xi32, #tpu.memory_space<vmem>> -> memref<1x128xi32, #tpu.memory_space<vmem>>
        %dma_wait3A_54 = tpu.memref_squeeze %dma_wait3A_53 : memref<1x128xi32, #tpu.memory_space<vmem>> -> memref<128xi32, #tpu.memory_space<vmem>>
        %dma_wait3A_55 = arith.constant 0 : i32
        %dma_wait3A_56 = arith.constant 0 : i32
        %dma_wait3A_57 = tpu.memref_slice %arg4[%dma_wait3A_55, %dma_wait3A_56] : memref<10240x128xf32, #tpu.memory_space<hbm>> -> memref<10240x128xf32, #tpu.memory_space<hbm>>
        tpu.wait_indirect_dma semaphore(%arg12 : memref<!tpu.dma_semaphore, #tpu.memory_space<semaphore_mem>>) src(%dma_wait3A_57 : memref<10240x128xf32, #tpu.memory_space<hbm>>) dst(%arg9 : memref<128x128xf32, #tpu.memory_space<vmem>>)
        %dma_start3A_58 = arith.constant 0 : i32
        %dma_start3A_59 = tpu.memref_slice %arg8[%mul3A_42, %dma_start3A_58] : memref<8x128xi32, #tpu.memory_space<vmem>> -> memref<1x128xi32, #tpu.memory_space<vmem>>
        %dma_start3A_60 = tpu.memref_squeeze %dma_start3A_59 : memref<1x128xi32, #tpu.memory_space<vmem>> -> memref<128xi32, #tpu.memory_space<vmem>>
        %dma_start3A_61 = arith.constant 0 : i32
        %dma_start3A_62 = arith.constant 0 : i32
        %dma_start3A_63 = tpu.memref_slice %arg11[%dma_start3A_61, %dma_start3A_62] : memref<10240x128xf32, #tpu.memory_space<vmem_shared>> -> memref<10240x128xf32, #tpu.memory_space<vmem_shared>>
        tpu.enqueue_indirect_dma source(%arg9 : memref<128x128xf32, #tpu.memory_space<vmem>>) target(%dma_start3A_63 : memref<10240x128xf32, #tpu.memory_space<vmem_shared>>) offsets(%dma_start3A_60 : memref<128xi32, #tpu.memory_space<vmem>>) semaphore(%arg14 : memref<!tpu.dma_semaphore, #tpu.memory_space<semaphore_mem>>) {add = true}
        %dma_wait3A_64 = arith.constant 0 : i32
        %dma_wait3A_65 = arith.constant 0 : i32
        %dma_wait3A_66 = tpu.memref_slice %arg8[%dma_wait3A_64, %dma_wait3A_65] : memref<8x128xi32, #tpu.memory_space<vmem>> -> memref<1x128xi32, #tpu.memory_space<vmem>>
        %dma_wait3A_67 = tpu.memref_squeeze %dma_wait3A_66 : memref<1x128xi32, #tpu.memory_space<vmem>> -> memref<128xi32, #tpu.memory_space<vmem>>
        %dma_wait3A_68 = arith.constant 0 : i32
        %dma_wait3A_69 = arith.constant 0 : i32
        %dma_wait3A_70 = tpu.memref_slice %arg11[%dma_wait3A_68, %dma_wait3A_69] : memref<10240x128xf32, #tpu.memory_space<vmem_shared>> -> memref<10240x128xf32, #tpu.memory_space<vmem_shared>>
        tpu.wait_indirect_dma semaphore(%arg14 : memref<!tpu.dma_semaphore, #tpu.memory_space<semaphore_mem>>) src(%arg9 : memref<128x128xf32, #tpu.memory_space<vmem>>) dst(%dma_wait3A_70 : memref<10240x128xf32, #tpu.memory_space<vmem_shared>>)
        %add3A_71 = arith.constant 1 : i32
        %add3A_72 = arith.addi %scan3A_40, %add3A_71 : i32
        %lt3A = arith.constant 4 : i32
        %lt3A_73 = arith.cmpi slt, %add3A_72, %lt3A : i32
        %convert_element_type3A = arith.extui %lt3A_73 : i1 to i32
        %cond3A = arith.constant 0 : i32
        %cond3A_74 = arith.cmpi ne, %convert_element_type3A, %cond3A : i32
        scf.if %cond3A_74 {
          %add3A_97 = arith.constant 2 : i32
          %add3A_98 = arith.addi %mul3A_42, %add3A_97 : i32
          %dma_start3A_99 = arith.constant 0 : i32
          %dma_start3A_100 = tpu.memref_slice %arg7[%add3A_98, %dma_start3A_99] : memref<8x128xi32, #tpu.memory_space<vmem>> -> memref<1x128xi32, #tpu.memory_space<vmem>>
          %dma_start3A_101 = tpu.memref_squeeze %dma_start3A_100 : memref<1x128xi32, #tpu.memory_space<vmem>> -> memref<128xi32, #tpu.memory_space<vmem>>
          %dma_start3A_102 = arith.constant 0 : i32
          %dma_start3A_103 = arith.constant 0 : i32
          %dma_start3A_104 = tpu.memref_slice %arg4[%dma_start3A_102, %dma_start3A_103] : memref<10240x128xf32, #tpu.memory_space<hbm>> -> memref<10240x128xf32, #tpu.memory_space<hbm>>
          tpu.enqueue_indirect_dma source(%dma_start3A_104 : memref<10240x128xf32, #tpu.memory_space<hbm>>) target(%arg9 : memref<128x128xf32, #tpu.memory_space<vmem>>) offsets(%dma_start3A_101 : memref<128xi32, #tpu.memory_space<vmem>>) semaphore(%arg12 : memref<!tpu.dma_semaphore, #tpu.memory_space<semaphore_mem>>)
        } else {
        }
        %dma_wait3A_75 = arith.constant 0 : i32
        %dma_wait3A_76 = arith.constant 0 : i32
        %dma_wait3A_77 = tpu.memref_slice %arg7[%dma_wait3A_75, %dma_wait3A_76] : memref<8x128xi32, #tpu.memory_space<vmem>> -> memref<1x128xi32, #tpu.memory_space<vmem>>
        %dma_wait3A_78 = tpu.memref_squeeze %dma_wait3A_77 : memref<1x128xi32, #tpu.memory_space<vmem>> -> memref<128xi32, #tpu.memory_space<vmem>>
        %dma_wait3A_79 = arith.constant 0 : i32
        %dma_wait3A_80 = arith.constant 0 : i32
        %dma_wait3A_81 = tpu.memref_slice %arg4[%dma_wait3A_79, %dma_wait3A_80] : memref<10240x128xf32, #tpu.memory_space<hbm>> -> memref<10240x128xf32, #tpu.memory_space<hbm>>
        tpu.wait_indirect_dma semaphore(%arg13 : memref<!tpu.dma_semaphore, #tpu.memory_space<semaphore_mem>>) src(%dma_wait3A_81 : memref<10240x128xf32, #tpu.memory_space<hbm>>) dst(%arg10 : memref<128x128xf32, #tpu.memory_space<vmem>>)
        %add3A_82 = arith.constant 1 : i32
        %add3A_83 = arith.addi %mul3A_42, %add3A_82 : i32
        %dma_start3A_84 = arith.constant 0 : i32
        %dma_start3A_85 = tpu.memref_slice %arg8[%add3A_83, %dma_start3A_84] : memref<8x128xi32, #tpu.memory_space<vmem>> -> memref<1x128xi32, #tpu.memory_space<vmem>>
        %dma_start3A_86 = tpu.memref_squeeze %dma_start3A_85 : memref<1x128xi32, #tpu.memory_space<vmem>> -> memref<128xi32, #tpu.memory_space<vmem>>
        %dma_start3A_87 = arith.constant 0 : i32
        %dma_start3A_88 = arith.constant 0 : i32
        %dma_start3A_89 = tpu.memref_slice %arg11[%dma_start3A_87, %dma_start3A_88] : memref<10240x128xf32, #tpu.memory_space<vmem_shared>> -> memref<10240x128xf32, #tpu.memory_space<vmem_shared>>
        tpu.enqueue_indirect_dma source(%arg10 : memref<128x128xf32, #tpu.memory_space<vmem>>) target(%dma_start3A_89 : memref<10240x128xf32, #tpu.memory_space<vmem_shared>>) offsets(%dma_start3A_86 : memref<128xi32, #tpu.memory_space<vmem>>) semaphore(%arg15 : memref<!tpu.dma_semaphore, #tpu.memory_space<semaphore_mem>>) {add = true}
        %dma_wait3A_90 = arith.constant 0 : i32
        %dma_wait3A_91 = arith.constant 0 : i32
        %dma_wait3A_92 = tpu.memref_slice %arg8[%dma_wait3A_90, %dma_wait3A_91] : memref<8x128xi32, #tpu.memory_space<vmem>> -> memref<1x128xi32, #tpu.memory_space<vmem>>
        %dma_wait3A_93 = tpu.memref_squeeze %dma_wait3A_92 : memref<1x128xi32, #tpu.memory_space<vmem>> -> memref<128xi32, #tpu.memory_space<vmem>>
        %dma_wait3A_94 = arith.constant 0 : i32
        %dma_wait3A_95 = arith.constant 0 : i32
        %dma_wait3A_96 = tpu.memref_slice %arg11[%dma_wait3A_94, %dma_wait3A_95] : memref<10240x128xf32, #tpu.memory_space<vmem_shared>> -> memref<10240x128xf32, #tpu.memory_space<vmem_shared>>
        tpu.wait_indirect_dma semaphore(%arg15 : memref<!tpu.dma_semaphore, #tpu.memory_space<semaphore_mem>>) src(%arg10 : memref<128x128xf32, #tpu.memory_space<vmem>>) dst(%dma_wait3A_96 : memref<10240x128xf32, #tpu.memory_space<vmem_shared>>)
      }
      %scan3A_39 = arith.constant 4 : i32
    }
    %barrier3A_23 = arith.constant 0 : index
    tpu.barrier barrier_id(%barrier3A_23)
    "tpu.region"() ({
      %run_scoped3A = tpu.sem_alloc : memref<!tpu.dma_semaphore, #tpu.memory_space<semaphore_mem>>
      %dma_start3A_24 = arith.constant 0 : i32
      %dma_start3A_25 = tpu.memref_slice %arg6[%arg0, %mul3A_0, %dma_start3A_24] : memref<2x10240x128xf32, #tpu.memory_space<hbm>> -> memref<1x640x128xf32, #tpu.memory_space<hbm>>
      %dma_start3A_26 = tpu.memref_squeeze %dma_start3A_25 : memref<1x640x128xf32, #tpu.memory_space<hbm>> -> memref<640x128xf32, #tpu.memory_space<hbm>>
      %dma_start3A_27 = arith.constant 0 : i32
      %dma_start3A_28 = tpu.memref_slice %arg11[%mul3A_0, %dma_start3A_27] : memref<10240x128xf32, #tpu.memory_space<vmem_shared>> -> memref<640x128xf32, #tpu.memory_space<vmem_shared>>
      tpu.enqueue_dma source(%dma_start3A_28 : memref<640x128xf32, #tpu.memory_space<vmem_shared>>) target(%dma_start3A_26 : memref<640x128xf32, #tpu.memory_space<hbm>>) target_semaphore(%run_scoped3A : memref<!tpu.dma_semaphore, #tpu.memory_space<semaphore_mem>>)
      %dma_wait3A_29 = arith.constant 0 : i32
      %dma_wait3A_30 = tpu.memref_slice %arg6[%arg0, %mul3A_0, %dma_wait3A_29] : memref<2x10240x128xf32, #tpu.memory_space<hbm>> -> memref<1x640x128xf32, #tpu.memory_space<hbm>>
      %dma_wait3A_31 = tpu.memref_squeeze %dma_wait3A_30 : memref<1x640x128xf32, #tpu.memory_space<hbm>> -> memref<640x128xf32, #tpu.memory_space<hbm>>
      %dma_wait3A_32 = arith.constant 0 : i32
      %dma_wait3A_33 = tpu.memref_slice %arg11[%mul3A_0, %dma_wait3A_32] : memref<10240x128xf32, #tpu.memory_space<vmem_shared>> -> memref<640x128xf32, #tpu.memory_space<vmem_shared>>
      tpu.wait_dma2 semaphore(%run_scoped3A : memref<!tpu.dma_semaphore, #tpu.memory_space<semaphore_mem>>) src(%dma_wait3A_33 : memref<640x128xf32, #tpu.memory_space<vmem_shared>>) dst(%dma_wait3A_31 : memref<640x128xf32, #tpu.memory_space<hbm>>)
      tpu.yield
    }) : () -> ()
    return
  }
}

module attributes {stable_mosaic.version = 14 : i64} {
  func.func @_phase1_body(%arg0: memref<10240x128xf32, #tpu.memory_space<vmem>>, %arg1: memref<128x128xf32, #tpu.memory_space<vmem>>, %arg2: memref<10240x1xf32, #tpu.memory_space<vmem>>, %arg3: memref<10240x1xf32, #tpu.memory_space<vmem>>, %arg4: memref<10240x128xf32, #tpu.memory_space<vmem>>, %arg5: memref<10240x1xf32, #tpu.memory_space<vmem>>) attributes {dimension_semantics = [], scalar_prefetch = 0 : i64, scratch_operands = 0 : i64, tpu.core_type = #tpu.core_type<tc>} {
    %get3A = arith.constant 0 : index
    %get3A_0 = arith.constant 0 : index
    %get3A_1 = vector.load %arg2[%get3A, %get3A_0] : memref<10240x1xf32, #tpu.memory_space<vmem>>, vector<10240x1xf32>
    %get3A_2 = arith.constant 0 : index
    %get3A_3 = arith.constant 0 : index
    %get3A_4 = vector.load %arg3[%get3A_2, %get3A_3] : memref<10240x1xf32, #tpu.memory_space<vmem>>, vector<10240x1xf32>
    %add3A = arith.addf %get3A_1, %get3A_4 : vector<10240x1xf32>
    %add3A_5 = arith.constant 1.000000e+00 : f32
    %add3A_6 = vector.broadcast %add3A_5 : f32 to vector<10240x1xf32>
    %add3A_7 = arith.addf %add3A, %add3A_6 : vector<10240x1xf32>
    %rsqrt3A = math.rsqrt %add3A_7 : vector<10240x1xf32>
    %get3A_8 = arith.constant 0 : index
    %get3A_9 = arith.constant 0 : index
    %get3A_10 = vector.load %arg0[%get3A_8, %get3A_9] : memref<10240x128xf32, #tpu.memory_space<vmem>>, vector<10240x128xf32>
    %get3A_11 = arith.constant 0 : index
    %get3A_12 = arith.constant 0 : index
    %get3A_13 = vector.load %arg1[%get3A_11, %get3A_12] : memref<128x128xf32, #tpu.memory_space<vmem>>, vector<128x128xf32>
    %dot_general3A = arith.constant dense<0.000000e+00> : vector<10240x128xf32>
    %dot_general3A_14 = tpu.matmul %get3A_10, %get3A_13, %dot_general3A {dimension_numbers = #tpu.dot_dimension_numbers<[1], [0], [0], [1], [0, 0, 1, 1], [], []>, transpose_lhs_hint = false} : vector<10240x128xf32>, vector<128x128xf32>, vector<10240x128xf32> -> vector<10240x128xf32>
    %mul3A = vector.broadcast %rsqrt3A : vector<10240x1xf32> to vector<10240x128xf32>
    %mul3A_15 = arith.mulf %dot_general3A_14, %mul3A : vector<10240x128xf32>
    %swap3A = arith.constant 0 : index
    %swap3A_16 = arith.constant 0 : index
    %swap3A_17 = vector.load %arg4[%swap3A, %swap3A_16] : memref<10240x128xf32, #tpu.memory_space<vmem>>, vector<10240x128xf32>
    tpu.vector_store %arg4[%swap3A, %swap3A_16], %mul3A_15 {strides = array<i32>} : memref<10240x128xf32, #tpu.memory_space<vmem>>, vector<10240x128xf32>,
    %swap3A_18 = arith.constant 0 : index
    %swap3A_19 = arith.constant 0 : index
    %swap3A_20 = vector.load %arg5[%swap3A_18, %swap3A_19] : memref<10240x1xf32, #tpu.memory_space<vmem>>, vector<10240x1xf32>
    tpu.vector_store %arg5[%swap3A_18, %swap3A_19], %rsqrt3A {strides = array<i32>} : memref<10240x1xf32, #tpu.memory_space<vmem>>, vector<10240x1xf32>,
    return
  }
}

module attributes {stable_mosaic.version = 14 : i64} {
  func.func @_phase2_body(%arg0: memref<10240x128xf32, #tpu.memory_space<vmem>>, %arg1: memref<10240x128xf32, #tpu.memory_space<vmem>>, %arg2: memref<10240x128xf32, #tpu.memory_space<vmem>>, %arg3: memref<10240x1xf32, #tpu.memory_space<vmem>>, %arg4: memref<1x128xf32, #tpu.memory_space<vmem>>, %arg5: memref<128x128xf32, #tpu.memory_space<vmem>>, %arg6: memref<10240x128xf32, #tpu.memory_space<vmem>>) attributes {dimension_semantics = [], scalar_prefetch = 0 : i64, scratch_operands = 0 : i64, tpu.core_type = #tpu.core_type<tc>} {
    %get3A = arith.constant 0 : index
    %get3A_0 = arith.constant 0 : index
    %get3A_1 = vector.load %arg3[%get3A, %get3A_0] : memref<10240x1xf32, #tpu.memory_space<vmem>>, vector<10240x1xf32>
    %get3A_2 = arith.constant 0 : index
    %get3A_3 = arith.constant 0 : index
    %get3A_4 = vector.load %arg0[%get3A_2, %get3A_3] : memref<10240x128xf32, #tpu.memory_space<vmem>>, vector<10240x128xf32>
    %get3A_5 = arith.constant 0 : index
    %get3A_6 = arith.constant 0 : index
    %get3A_7 = vector.load %arg1[%get3A_5, %get3A_6] : memref<10240x128xf32, #tpu.memory_space<vmem>>, vector<10240x128xf32>
    %add3A = arith.addf %get3A_4, %get3A_7 : vector<10240x128xf32>
    %get3A_8 = arith.constant 0 : index
    %get3A_9 = arith.constant 0 : index
    %get3A_10 = vector.load %arg2[%get3A_8, %get3A_9] : memref<10240x128xf32, #tpu.memory_space<vmem>>, vector<10240x128xf32>
    %add3A_11 = arith.addf %add3A, %get3A_10 : vector<10240x128xf32>
    %mul3A = vector.broadcast %get3A_1 : vector<10240x1xf32> to vector<10240x128xf32>
    %mul3A_12 = arith.mulf %mul3A, %add3A_11 : vector<10240x128xf32>
    %get3A_13 = arith.constant 0 : index
    %get3A_14 = arith.constant 0 : index
    %get3A_15 = vector.load %arg4[%get3A_13, %get3A_14] : memref<1x128xf32, #tpu.memory_space<vmem>>, vector<1x128xf32>
    %add3A_16 = vector.broadcast %get3A_15 : vector<1x128xf32> to vector<10240x128xf32>
    %add3A_17 = arith.addf %mul3A_12, %add3A_16 : vector<10240x128xf32>
    %max3A = arith.constant 0.000000e+00 : f32
    %max3A_18 = vector.broadcast %max3A : f32 to vector<10240x128xf32>
    %max3A_19 = arith.maximumf %add3A_17, %max3A_18 : vector<10240x128xf32>
    %get3A_20 = arith.constant 0 : index
    %get3A_21 = arith.constant 0 : index
    %get3A_22 = vector.load %arg5[%get3A_20, %get3A_21] : memref<128x128xf32, #tpu.memory_space<vmem>>, vector<128x128xf32>
    %dot_general3A = arith.constant dense<0.000000e+00> : vector<10240x128xf32>
    %dot_general3A_23 = tpu.matmul %max3A_19, %get3A_22, %dot_general3A {dimension_numbers = #tpu.dot_dimension_numbers<[1], [0], [0], [1], [0, 0, 1, 1], [], []>, transpose_lhs_hint = false} : vector<10240x128xf32>, vector<128x128xf32>, vector<10240x128xf32> -> vector<10240x128xf32>
    %mul3A_24 = vector.broadcast %get3A_1 : vector<10240x1xf32> to vector<10240x128xf32>
    %mul3A_25 = arith.mulf %dot_general3A_23, %mul3A_24 : vector<10240x128xf32>
    %swap3A = arith.constant 0 : index
    %swap3A_26 = arith.constant 0 : index
    %swap3A_27 = vector.load %arg6[%swap3A, %swap3A_26] : memref<10240x128xf32, #tpu.memory_space<vmem>>, vector<10240x128xf32>
    tpu.vector_store %arg6[%swap3A, %swap3A_26], %mul3A_25 {strides = array<i32>} : memref<10240x128xf32, #tpu.memory_space<vmem>>, vector<10240x128xf32>,
    return
  }
}

module attributes {stable_mosaic.version = 14 : i64} {
  func.func @_phase3_body(%arg0: memref<10240x128xf32, #tpu.memory_space<vmem>>, %arg1: memref<10240x128xf32, #tpu.memory_space<vmem>>, %arg2: memref<10240x128xf32, #tpu.memory_space<vmem>>, %arg3: memref<10240x1xf32, #tpu.memory_space<vmem>>, %arg4: memref<1x128xf32, #tpu.memory_space<vmem>>, %arg5: memref<128x128xf32, #tpu.memory_space<vmem>>, %arg6: memref<1x128xf32, #tpu.memory_space<vmem>>, %arg7: memref<10240x128xf32, #tpu.memory_space<vmem>>, %arg8: memref<10240x128xf32, #tpu.memory_space<vmem>>) attributes {dimension_semantics = [], scalar_prefetch = 0 : i64, scratch_operands = 0 : i64, tpu.core_type = #tpu.core_type<tc>} {
    %get3A = arith.constant 0 : index
    %get3A_0 = arith.constant 0 : index
    %get3A_1 = vector.load %arg3[%get3A, %get3A_0] : memref<10240x1xf32, #tpu.memory_space<vmem>>, vector<10240x1xf32>
    %get3A_2 = arith.constant 0 : index
    %get3A_3 = arith.constant 0 : index
    %get3A_4 = vector.load %arg0[%get3A_2, %get3A_3] : memref<10240x128xf32, #tpu.memory_space<vmem>>, vector<10240x128xf32>
    %get3A_5 = arith.constant 0 : index
    %get3A_6 = arith.constant 0 : index
    %get3A_7 = vector.load %arg1[%get3A_5, %get3A_6] : memref<10240x128xf32, #tpu.memory_space<vmem>>, vector<10240x128xf32>
    %add3A = arith.addf %get3A_4, %get3A_7 : vector<10240x128xf32>
    %get3A_8 = arith.constant 0 : index
    %get3A_9 = arith.constant 0 : index
    %get3A_10 = vector.load %arg2[%get3A_8, %get3A_9] : memref<10240x128xf32, #tpu.memory_space<vmem>>, vector<10240x128xf32>
    %add3A_11 = arith.addf %add3A, %get3A_10 : vector<10240x128xf32>
    %mul3A = vector.broadcast %get3A_1 : vector<10240x1xf32> to vector<10240x128xf32>
    %mul3A_12 = arith.mulf %mul3A, %add3A_11 : vector<10240x128xf32>
    %get3A_13 = arith.constant 0 : index
    %get3A_14 = arith.constant 0 : index
    %get3A_15 = vector.load %arg4[%get3A_13, %get3A_14] : memref<1x128xf32, #tpu.memory_space<vmem>>, vector<1x128xf32>
    %add3A_16 = vector.broadcast %get3A_15 : vector<1x128xf32> to vector<10240x128xf32>
    %add3A_17 = arith.addf %mul3A_12, %add3A_16 : vector<10240x128xf32>
    %max3A = arith.constant 0.000000e+00 : f32
    %max3A_18 = vector.broadcast %max3A : f32 to vector<10240x128xf32>
    %max3A_19 = arith.maximumf %add3A_17, %max3A_18 : vector<10240x128xf32>
    %swap3A = arith.constant 0 : index
    %swap3A_20 = arith.constant 0 : index
    %swap3A_21 = vector.load %arg7[%swap3A, %swap3A_20] : memref<10240x128xf32, #tpu.memory_space<vmem>>, vector<10240x128xf32>
    tpu.vector_store %arg7[%swap3A, %swap3A_20], %max3A_19 {strides = array<i32>} : memref<10240x128xf32, #tpu.memory_space<vmem>>, vector<10240x128xf32>,
    %get3A_22 = arith.constant 0 : index
    %get3A_23 = arith.constant 0 : index
    %get3A_24 = vector.load %arg5[%get3A_22, %get3A_23] : memref<128x128xf32, #tpu.memory_space<vmem>>, vector<128x128xf32>
    %dot_general3A = arith.constant dense<0.000000e+00> : vector<10240x128xf32>
    %dot_general3A_25 = tpu.matmul %max3A_19, %get3A_24, %dot_general3A {dimension_numbers = #tpu.dot_dimension_numbers<[1], [0], [0], [1], [0, 0, 1, 1], [], []>, transpose_lhs_hint = false} : vector<10240x128xf32>, vector<128x128xf32>, vector<10240x128xf32> -> vector<10240x128xf32>
    %get3A_26 = arith.constant 0 : index
    %get3A_27 = arith.constant 0 : index
    %get3A_28 = vector.load %arg6[%get3A_26, %get3A_27] : memref<1x128xf32, #tpu.memory_space<vmem>>, vector<1x128xf32>
    %add3A_29 = vector.broadcast %get3A_28 : vector<1x128xf32> to vector<10240x128xf32>
    %add3A_30 = arith.addf %dot_general3A_25, %add3A_29 : vector<10240x128xf32>
    %swap3A_31 = arith.constant 0 : index
    %swap3A_32 = arith.constant 0 : index
    %swap3A_33 = vector.load %arg8[%swap3A_31, %swap3A_32] : memref<10240x128xf32, #tpu.memory_space<vmem>>, vector<10240x128xf32>
    tpu.vector_store %arg8[%swap3A_31, %swap3A_32], %add3A_30 {strides = array<i32>} : memref<10240x128xf32, #tpu.memory_space<vmem>>, vector<10240x128xf32>,
    return
  }
}

</mosaic_0001>

<sc_bundles>
// kernel: kernel.11.cloned.1.call-start
scs
__scs_entry_jumppad:
0x0: {  	(pc) =	sbr.rel $0x88, $3  }
0x1: {  	(tag) =	ssettag $0x0;
	lr =	simm.s32 $0x1  }
0x2: {  	[smem:$0x3F99] =	sst lr;
	_ =	strace $0xD0000000  }
0x3: {  	_ = 	snop  }
0x4: {  	_ = 	snop  }
0x5: {  	_ = 	snop  }
0x6: {  	_ = 	snop  }
0x7: {  	_ = 	snop  }
__scs_overlays_trampoline_lowered:
0x8: {  	[smem:$0x3FA8] =	sst s0  }
0x9: {  	[smem:$0x3FA9] =	sst s1  }
0xa: {  	[smem:$0x3FAA] =	sst s2  }
0xb: {  	[smem:$0x3FAB] =	sst s3  }
0xc: {  	[smem:$0x3FAC] =	sst s4  }
0xd: {  	[smem:$0x3FAD] =	sst s5  }
0xe: {  	[smem:$0x3FAE] =	sst s6  }
0xf: {  	[smem:$0x3FAF] =	sst s7  }
0x10: {  	[smem:$0x3FB0] =	sst s8  }
0x11: {  	[smem:$0x3FB1] =	sst s9;
	s0 =	simm.s32 @!p0 $0x0  }
0x12: {  	s1 =	sld [smem:$0x3F97];
	s0 =	simm.s32 @p0 $0x1  }
0x13: {  	[smem:$0x3FB2] =	sst s0;
	s0 =	simm.s32 @!p1 $0x0  }
0x14: {  	s2 =	sld [smem:$0x3F96];
	s0 =	simm.s32 @p1 $0x1  }
0x15: {  	[smem:$0x3FB3] =	sst s0;
	s0 =	simm.s32 @!p2 $0x0  }
0x16: {  	s3 =	sld [smem:$0x3FDB];
	s0 =	simm.s32 @p2 $0x1  }
0x17: {  	s4 =	simm.s32 $0x1BF5;
	[smem:$0x3FB5] =	sst s0  }
0x18: {  	s0 =	sld [smem:$0x3F98];
	_ =	swait.ge [sflag:s4], $0x0  }
0x19: {  	s7 =	sld [smem:$0x3F99]  }
0x1a: {  	s8 =	sadd.s32 $0xFFFFE003, lr  }
0x1b: {  	s9 =	sadd.s32 $0xFFFFFEF7, lr;
	s5 =	simm.s32 $0xFFFFFFFF;
	p2 =	slt.u32 s8, $0xFFFFF086  }
0x1c: {  	p1 =	slt.u32 s9, $0xF7A;
	s5 =	simm.s32 @!p2 $0x0  }
0x1d: {  	s5 =	simm.s32 @p1 $0x1;
	p0 =	seq.s32 s7, s2  }
0x1e: {  	s7 =	smul.u32 @!p0 $0xF7A, s2;
	p2 =	seq.s32 @!p0 s5, $0x0  }
0x1f: {  	s9 =	smul.u32 $0xF7A, s1;
	s8 =	simm.s32 @!p0 $0x1BF5;
	p2 =	por !p2, p0  }
0x20: {  	[sflag:s8] =	ssyncset.s32 @!p0 $0xFFFFF086;
	s6 =	sadd.s32 @!p0 s3, s7;
	s7 =	simm.s32 @!p0 $0x108  }
0x21: {  	s3 =	sadd.s32 s3, s9;
	s6 =	sadd.s32 @!p0 $0x88, s6;
	s7 =	simm.s32 @p2 $0x1082  }
0x22: {  	[simem:s7], [sflag:s8] =	dma.local @!p0 [hbm:s6], $0xF7A  }
0x23: {  	s9 =	sor.u32 $0xD0000000, s2;
	s6 =	simm.s32 $0x108;
	_ =	swait.ge @!p0 [sflag:s8], $0x0  }
0x24: {  	s3 =	sadd.s32 $0x88, s3;
	s6 =	simm.s32 @!p1 $0x1082;
	[sflag:s4] =	ssyncset.s32 $0xFFFFF086  }
0x25: {  	[simem:s6], [sflag:s4] =	dma.local [hbm:s3], $0xF7A  }
0x26: {  	[smem:$0x3F99] =	sst s1;
	(tag) =	ssettag s2;
	_ =	strace s9  }
0x27: {  	s1 =	sld [smem:$0x3FA9]  }
0x28: {  	s2 =	sld [smem:$0x3FAA]  }
0x29: {  	s4 =	sld [smem:$0x3FAC]  }
0x2a: {  	p0 =	seq.s32 s5, $0x0;
	s5 =	sld [smem:$0x3FAD]  }
0x2b: {  	s6 =	sld [smem:$0x3FAE]  }
0x2c: {  	s7 =	sld [smem:$0x3FAF]  }
0x2d: {  	s3 =	simm.s32 $0x108;
	s8 =	sld [smem:$0x3FB0]  }
0x2e: {  	s3 =	simm.s32 @!p0 $0x1082;
	s9 =	sld [smem:$0x3FB1]  }
0x2f: {  	lr =	sadd.s32 s0, s3;
	s0 =	sld [smem:$0x3FA8]  }
0x30: {  	s3 =	sld [smem:$0x3FAB]  }
0x31: {  	[smem:$0x3FB4] =	sst s10  }
0x32: {  	s10 =	sld [smem:$0x3FB2];
	_ =	sdelay $0x3  }
0x33: {  	p0 =	seq.s32 s10, $0x1;
	s10 =	sld [smem:$0x3FB4];
	_ =	sdelay $0x3  }
0x34: {  	[smem:$0x3FB4] =	sst s10  }
0x35: {  	s10 =	sld [smem:$0x3FB3];
	_ =	sdelay $0x3  }
0x36: {  	p1 =	seq.s32 s10, $0x1;
	s10 =	sld [smem:$0x3FB4];
	_ =	sdelay $0x3  }
0x37: {  	[smem:$0x3FB4] =	sst s10  }
0x38: {  	s10 =	sld [smem:$0x3FB5]  }
0x39: {  	_ = 	snop;
	(pc) =	sbr.ind lr, $3  }
0x3a: {  	_ = 	snop  }
0x3b: {  	_ = 	snop  }
0x3c: {  	p2 =	seq.s32 s10, $0x1;
	s10 =	sld [smem:$0x3FB4]  }
0x3d: {  	_ =	shalt  }
0x3e: {  	_ =	shalt  }
0x3f: {  	_ =	shalt  }
0x40: {  	_ =	shalt  }
0x41: {  	_ =	shalt  }
0x42: {  	_ =	shalt  }
0x43: {  	_ =	shalt  }
0x44: {  	_ =	shalt  }
0x45: {  	_ =	shalt  }
0x46: {  	_ =	shalt  }
0x47: {  	_ =	shalt  }
0x48: {  	_ =	shalt  }
0x49: {  	_ =	shalt  }
0x4a: {  	_ =	shalt  }
0x4b: {  	_ =	shalt  }
0x4c: {  	_ =	shalt  }
0x4d: {  	_ =	shalt  }
0x4e: {  	_ =	shalt  }
0x4f: {  	_ =	shalt  }
0x50: {  	_ =	shalt  }
0x51: {  	_ =	shalt  }
0x52: {  	_ =	shalt  }
0x53: {  	_ =	shalt  }
0x54: {  	_ =	shalt  }
0x55: {  	_ =	shalt  }
0x56: {  	_ =	shalt  }
0x57: {  	_ =	shalt  }
0x58: {  	_ =	shalt  }
0x59: {  	_ =	shalt  }
0x5a: {  	_ =	shalt  }
0x5b: {  	_ =	shalt  }
0x5c: {  	_ =	shalt  }
0x5d: {  	_ =	shalt  }
0x5e: {  	_ =	shalt  }
0x5f: {  	_ =	shalt  }
0x60: {  	_ =	shalt  }
0x61: {  	_ =	shalt  }
0x62: {  	_ =	shalt  }
0x63: {  	_ =	shalt  }
0x64: {  	_ =	shalt  }
0x65: {  	_ =	shalt  }
0x66: {  	_ =	shalt  }
0x67: {  	_ =	shalt  }
0x68: {  	_ =	shalt  }
0x69: {  	_ =	shalt  }
0x6a: {  	_ =	shalt  }
0x6b: {  	_ =	shalt  }
0x6c: {  	_ =	shalt  }
0x6d: {  	_ =	shalt  }
0x6e: {  	_ =	shalt  }
0x6f: {  	_ =	shalt  }
0x70: {  	_ =	shalt  }
0x71: {  	_ =	shalt  }
0x72: {  	_ =	shalt  }
0x73: {  	_ =	shalt  }
0x74: {  	_ =	shalt  }
0x75: {  	_ =	shalt  }
0x76: {  	_ =	shalt  }
0x77: {  	_ =	shalt  }
0x78: {  	_ =	shalt  }
0x79: {  	_ =	shalt  }
0x7a: {  	_ =	shalt  }
0x7b: {  	_ =	shalt  }
0x7c: {  	_ =	shalt  }
0x7d: {  	_ =	shalt  }
0x7e: {  	_ =	shalt  }
0x7f: {  	_ =	shalt  }
0x80: {  	_ =	shalt  }
0x81: {  	_ =	shalt  }
0x82: {  	_ =	shalt  }
0x83: {  	_ =	shalt  }
0x84: {  	_ =	shalt  }
0x85: {  	_ =	shalt  }
0x86: {  	_ =	shalt  }
0x87: {  	_ =	shalt  }
.Lfunc_end0:
.L_simem_size_0:
called_computation.1_lowered:
.L_overlay_start_0:
0x88: {  	s2 =	sld [smem:$0x3FD9]  }
0x89: {  	s3 =	sld [smem:$0x3FFE];
	_ =	sdelay $0x1  }
0x8a: {  	s1 =	srdreg.scid  }
0x8b: {  	s0 =	sand.u32 $0x1, s1  }
0x8c: {  	s14 =	sshll.u32 s0, $0xA;
	s2 =	sadd.s32 s3, s2  }
0x8d: {  	s2 =	sadd.s32 s2, s14  }
0x8e: {  	[smem:$0x3FC0] =	sst s2  }
0x8f: {  	_ = 	snop  }
0x90: {  	s2 =	sld [smem:$0x3FD0];
	_ =	sdelay $0x2  }
0x91: {  	s15 =	simm.s32 $0xA;
	s4 =	simm.s32 $0x10  }
0x92: {  	[smem:s4], [sflag:s15] =	dma.local [hbm:s2], $0x1  }
0x93: {  	_ =	swait.eq [sflag:s15], $0x1  }
0x94: {  	[sflag:s15] =	ssyncset.done $0x0  }
0x95: {  	s16 =	sld [smem:$0x10];
	[sflag:s15] =	ssyncadd.s32 $0xFFFFFFFF  }
0x96: {  	s17 =	sld [smem:$0x11];
	(tm) =	ssettm $0x1  }
0x97: {  	s18 =	sld [smem:$0x3FFB];
	_ =	sdelay $0x3  }
0x98: {  	_ =	strace s18  }
0x99: {  	s4 =	sld [smem:$0x3FFC];
	_ =	sdelay $0x3  }
0x9a: {  	_ =	strace s4  }
0x9b: {  	s4 =	sld [smem:$0x3FFD];
	_ =	sdelay $0x3  }
0x9c: {  	_ =	strace s4  }
0x9d: {  	_ =	strace $0x8FFFFFFF  }
0x9e: {  	s19 =	sld [smem:$0x3FDB];
	_ =	sdelay $0x1  }
0x9f: {  	s5 =	simm.s32 $_scs_section_size  }
0xa0: {  	s6 =	simm.s32 $_size__tile_overlayer_lowered;
	s7 =	simm.s32 $_tile_overlayer_lowered  }
0xa1: {  	s22 =	simm.s32 $0x1BFF;
	s21 =	sshll.u32 s7, $0x1;
	s4 =	sadd.s32 s5, s19  }
0xa2: {  	s8 =	simm.s32 $0x0;
	s20 =	sshll.u32 s6, $0x1;
	s6 =	sadd.s32 s21, s4  }
0xa3: {  	[timem:s8], [sflag:s22] =	dma.local [hbm:s6], s20  }
0xa4: {  	_ =	swait.ge [sflag:s22], s20  }
0xa5: {  	s5 =	ssub.s32 $0x0, s20;
	[sflag:s22] =	ssyncset.done $0x0  }
0xa6: {  	[sflag:s22] =	ssyncadd.s32 s5;
	_ =	sdelay $0x1  }
0xa7: {  	s23 =	simm.s32 $0x1B8B  }
0xa8: {  	_ =	swait.ge [sflag:s23], $0x1  }
0xa9: {  	[sflag:s23] =	ssyncset.done $0x0  }
0xaa: {  	s25 =	simm.s32 $0x1B8E;
	s24 =	sld [smem:$0x3FFE];
	[sflag:s23] =	ssyncadd.s32 $0xFFFFFFFF  }
0xab: {  	s26 =	simm.s32 $execute0_lowered;
	[smem:$0x3FD2] =	sst s25  }
0xac: {  	s6 =	sshll.u32 s26, $0x1;
	_ =	strace $0x80000049;
	[dreg:$0x1] =	wrdreg $0xFFFFFFFF  }
0xad: {  	s28 =	simm.s32 $_size_execute0_lowered;
	s4 =	sadd.s32 s4, s6;
	[dreg:$0x0] =	wrdreg $0x0  }
0xae: {  	s6 =	sshll.u32 s28, $0x1;
	[dreg:$0x2] =	wrdreg s4  }
0xaf: {  	[dreg:$0x3] =	wrdreg s6  }
0xb0: {  	[dreg:$0x4] =	wrdreg $0xC0  }
0xb1: {  	_ =	task [dreg:s8], $0x5FFFF  }
0xb2: {  	[dreg:$0x1] =	wrdreg $0xFFFFFFFF  }
0xb3: {  	[dreg:$0x0] =	wrdreg $0x60  }
0xb4: {  	[dreg:$0x2] =	wrdreg s16  }
0xb5: {  	[dreg:$0x3] =	wrdreg s17  }
0xb6: {  	[dreg:$0x4] =	wrdreg s24  }
0xb7: {  	[dreg:$0x5] =	wrdreg $0x88000  }
0xb8: {  	[dreg:$0x6] =	wrdreg $0x9  }
0xb9: {  	_ =	task.clear_ibuf [dreg:s8], $0x7FFFF;
	_ =	strace $0x90000049  }
0xba: {  	s29 =	simm.s32 $0x9;
	_ =	strace $0x8000004B  }
0xbb: {  	_ =	swait.ge [sflag:s29], $0x1  }
0xbc: {  	[sflag:s29] =	ssyncadd.s32 $0xFFFFFFFF  }
0xbd: {  	_ =	strace $0x9000004B  }
0xbe: {  	_ =	sfence  }
0xbf: {  	s30 =	sld [smem:$0x0];
	_ =	sdelay $0x2  }
0xc0: {  	s31 =	sshll.u32 s1, $0xD;
	s1 =	sshrl.u32 s1, $0x2  }
0xc1: {  	s3 =	sand.u32 $0x4000, s31;
	s1 =	sadd.s32 s1, s30  }
0xc2: {  	s0 =	sor.u32 s3, s0;
	s1 =	sshll.u32 s1, $0x11  }
0xc3: {  	s0 =	sor.u32 s1, s0  }
0xc4: {  	s0 =	sadd.s32 $0x8F2B, s0  }
0xc5: {  	[sflag:s0] =	ssyncadd.remote.s32 $0x1  }
0xc6: {  	_ =	sfence.sel $0xFFFF  }
0xc7: {  	[dreg:$0x0] =	wrdreg $0xFFFFFFFF;
	(pc) =	sbr.abs _section_cstart, $3  }
0xc8: {  	[dreg:$0x1] =	wrdreg $0xFFFFFFFF  }
0xc9: {  	_ =	task.clear_ibuf [dreg:s8], $0x2FFFF;
	_ =	strace $0x9FFFFFFF  }
0xca: {  	(tm) =	ssettm $0x7FFFFFFF  }
0xcb: {  	_ =	shalt  }
tec
execute0_lowered:
.L_overlay_start_1:
0x0: {  	(tag) =	ssettag $0x1  }
0x1: {  	s0 =	rddreg [dreg:$0x0]  }
0x2: {  	s1 =	rddreg [dreg:$0x1]  }
0x3: {  	s5 =	rddreg [dreg:$0x2]  }
0x4: {  	s2 =	rddreg [dreg:$0x3]  }
0x5: {  	s14 =	stileid.u32;
	s4 =	srdreg.scid;
	s3 =	simm.s32 $0x0  }
0x6: {  	s15 =	simm.s32 $0x6;
	s16 =	simm.s32 $0x400;
	s17 =	simm.s32 $0x80  }
0x7: {  	s18 =	simm.s32 $0x800;
	s26 =	simm.s32 $0x100;
	s28 =	simm.s32 $0x200  }
0x8: {  	s29 =	simm.s32 $0x580;
	s30 =	simm.s32 $0x280;
	s6 =	smul.u32 $0x14000, s14  }
0x9: {  	s31 =	simm.s32 $0x600;
	s7 =	sand.u32 $0x1, s4;
	s10 =	smul.u32 $0xA0, s14  }
0xa: {  	[smem:$0x7FF] =	sst s3;
	s4 =	sadd.s32 $0x3200, s5;
	s13 =	smul.u32 $0x50000, s14  }
0xb: {  	s23 =	sshll.u32 s14, $0x6;
	s8 =	smul.u32 $0x140000, s7;
	_ =	strace $0x8000004A  }
0xc: {  	s19 =	ssub.s32 $0x2, s7;
	s12 =	sshll.u32 s7, $0x7;
	[dreg:$0x7] =	wrdreg s23  }
0xd: {  	p0 =	seq.s32 s7, $0x0;
	s24 =	sor.u32 $0x1C05, s23;
	[dreg:$0x5] =	wrdreg s26  }
0xe: {  	s23 =	simm.s32 $0x480;
	s26 =	simm.s32 $0x500;
	s9 =	sshrl.u32 s6, $0x3  }
0xf: {  	s11 =	sshrl.u32 s19, $0x1;
	s21 =	sadd.s32 s12, s10;
	s10 =	simm.s32 $0x10  }
0x10: {  	s22 =	sshrl.u32 s13, $0x2;
	[dreg:$0x9] =	wrdreg s24;
	s24 =	simm.s32 $0x4  }
0x11: {  	s9 =	sadd.s32 s9, s5;
	s6 =	sadd.s32 s6, s8;
	s20 =	ssub.s32 s19, s11  }
0x12: {  	s10 =	simm.s32 @!p0 $0x4;
	s7 =	sadd.s32 s22, s2;
	s8 =	sshll.u32 s21, $0x4  }
0x13: {  	s19 =	simm.s32 $0x4800;
	s21 =	simm.s32 $0x3;
	s22 =	simm.s32 $0x2  }
0x14: {  	s6 =	sshrl.u32 s6, $0x3;
	[dreg:$0x6] =	wrdreg s10;
	s9 =	sadd.s32 $0x53200, s9  }
0x15: {  	s25 =	smax.u32 s20, $0x1;
	s1 =	sadd.s32 s8, s1;
	s12 =	sshrl.u32 s7, $0x3  }
0x16: {  	s20 =	simm.s32 $0x1;
	s7 =	simm.s32 $0x380;
	[dreg:$0x8] =	wrdreg s9  }
0x17: {  	s10 =	simm.s32 $0x0;
	s5 =	sadd.s32 s6, s5;
	[dreg:$0xb] =	wrdreg s25  }
0x18: {  	[dreg:$0xc] =	wrdreg s1;
	s25 =	simm.s32 $0x180;
	s5 =	sadd.s32 $0x7B200, s5  }
0x19: {  	s1 =	simm.s32 $0x680;
	s9 =	simm.s32 $0x780;
	[dreg:$0xa] =	wrdreg s5  }
0x1a: {  	s5 =	sadd.s32 s8, s0;
	s0 =	simm.s32 $0x300;
	s8 =	simm.s32 $0x700  }
.LBB2_1:
0x1b: {  	s6 =	rddreg [dreg:$0x8]  }
0x1c: {  	s11 =	rddreg [dreg:$0x9]  }
0x1d: {  	[spmem:s12], [sflag:s11] =	dma.local [hbm:s6], $0x2800  }
0x1e: {  	s11 =	simm.s32 $0x5  }
0x1f: {  	_ =	swait.ge [sflag:s11], $0x2800  }
0x20: {  	[sflag:s11] =	ssyncset.done $0x0  }
0x21: {  	[sflag:s11] =	ssyncadd.s32 $0xFFFFD800  }
0x22: {  	[bflag:$0x0] =	sbarrier.arrive $0xFFFF  }
0x23: {  	[tilespmem:s3], [sflag:$0x6] =	stream.linear.gather [hbm4b:s5+s3], $0x400, $0x38;
	[tilespmem:$0x1C800] =	vst v63  }
0x24: {  	_ =	swait.ge [sflag:s15], $0x400  }
0x25: {  	[sflag:s15] =	ssyncset.done $0x0  }
0x26: {  	s11 =	rddreg [dreg:$0xc];
	[sflag:s15] =	ssyncadd.s32 $0xFFFFFC00  }
0x27: {  	[tilespmem:s16], [sflag:$0x6] =	stream.linear.gather [hbm4b:s11+s3], $0x400, $0x38;
	[tilespmem:$0x1C800] =	vst v63  }
0x28: {  	_ =	swait.ge [sflag:s15], $0x400  }
0x29: {  	[sflag:s15] =	ssyncset.done $0x0  }
0x2a: {  	[sflag:s15] =	ssyncadd.s32 $0xFFFFFC00  }
0x2b: {  	[tilespmem:s18], [sflag:$0x1] =	stream.indirect.gather [hbm4b:s4+s17], $0x80, s3, s17, $0xb8;
	[tilespmem:$0x1C800] =	vst v63  }
0x2c: {  	_ = 	snop  }
0x2d: {  	[tilespmem:s19], [sflag:$0x2] =	stream.indirect.gather [hbm4b:s4+s17], $0x80, s17, s17, $0xb8;
	[tilespmem:$0x1C800] =	vst v63  }
0x2e: {  	_ =	swait.ge [sflag:s20], $0x4000  }
0x2f: {  	[sflag:s20] =	ssyncset.done $0x0  }
0x30: {  	[sflag:s20] =	ssyncadd.s32 $0xFFFFC000  }
0x31: {  	[spmem:s2] =	stream.indirect.scatter.add.f32 [tilespmem:s18], [sflag:$0x3], $0x80, s16, s17, $0xb8;
	[tilespmem:$0x1C800] =	vst v63  }
0x32: {  	_ =	swait.ge [sflag:s21], $0x4000  }
0x33: {  	[sflag:s21] =	ssyncset.done $0x0  }
0x34: {  	s14 =	smov.u32 s12;
	s12 =	rddreg [dreg:$0x5];
	[sflag:s21] =	ssyncadd.s32 $0xFFFFC000  }
0x35: {  	[tilespmem:s18], [sflag:$0x1] =	stream.indirect.gather [hbm4b:s4+s17], $0x80, s12, s17, $0xb8;
	[tilespmem:$0x1C800] =	vst v63  }
0x36: {  	_ =	swait.ge [sflag:s22], $0x4000  }
0x37: {  	[sflag:s22] =	ssyncset.done $0x0  }
0x38: {  	[sflag:s22] =	ssyncadd.s32 $0xFFFFC000  }
0x39: {  	[spmem:s2] =	stream.indirect.scatter.add.f32 [tilespmem:s19], [sflag:$0x4], $0x80, s23, s17, $0xb8;
	[tilespmem:$0x1C800] =	vst v63  }
0x3a: {  	_ =	swait.ge [sflag:s24], $0x4000  }
0x3b: {  	[sflag:s24] =	ssyncset.done $0x0  }
0x3c: {  	[sflag:s24] =	ssyncadd.s32 $0xFFFFC000  }
0x3d: {  	[tilespmem:s19], [sflag:$0x2] =	stream.indirect.gather [hbm4b:s4+s17], $0x80, s25, s17, $0xb8;
	[tilespmem:$0x1C800] =	vst v63  }
0x3e: {  	_ =	swait.ge [sflag:s20], $0x4000  }
0x3f: {  	[sflag:s20] =	ssyncset.done $0x0  }
0x40: {  	[sflag:s20] =	ssyncadd.s32 $0xFFFFC000  }
0x41: {  	[spmem:s2] =	stream.indirect.scatter.add.f32 [tilespmem:s18], [sflag:$0x3], $0x80, s26, s17, $0xb8;
	[tilespmem:$0x1C800] =	vst v63  }
0x42: {  	_ =	swait.ge [sflag:s21], $0x4000  }
0x43: {  	[sflag:s21] =	ssyncset.done $0x0  }
0x44: {  	[sflag:s21] =	ssyncadd.s32 $0xFFFFC000  }
0x45: {  	[tilespmem:s18], [sflag:$0x1] =	stream.indirect.gather [hbm4b:s4+s17], $0x80, s28, s17, $0xb8;
	[tilespmem:$0x1C800] =	vst v63  }
0x46: {  	_ =	swait.ge [sflag:s22], $0x4000  }
0x47: {  	[sflag:s22] =	ssyncset.done $0x0  }
0x48: {  	[sflag:s22] =	ssyncadd.s32 $0xFFFFC000  }
0x49: {  	[spmem:s2] =	stream.indirect.scatter.add.f32 [tilespmem:s19], [sflag:$0x4], $0x80, s29, s17, $0xb8;
	[tilespmem:$0x1C800] =	vst v63  }
0x4a: {  	_ =	swait.ge [sflag:s24], $0x4000  }
0x4b: {  	[sflag:s24] =	ssyncset.done $0x0  }
0x4c: {  	[sflag:s24] =	ssyncadd.s32 $0xFFFFC000  }
0x4d: {  	[tilespmem:s19], [sflag:$0x2] =	stream.indirect.gather [hbm4b:s4+s17], $0x80, s30, s17, $0xb8;
	[tilespmem:$0x1C800] =	vst v63  }
0x4e: {  	_ =	swait.ge [sflag:s20], $0x4000  }
0x4f: {  	[sflag:s20] =	ssyncset.done $0x0  }
0x50: {  	[sflag:s20] =	ssyncadd.s32 $0xFFFFC000  }
0x51: {  	[spmem:s2] =	stream.indirect.scatter.add.f32 [tilespmem:s18], [sflag:$0x3], $0x80, s31, s17, $0xb8;
	[tilespmem:$0x1C800] =	vst v63  }
0x52: {  	_ =	swait.ge [sflag:s21], $0x4000  }
0x53: {  	[sflag:s21] =	ssyncset.done $0x0  }
0x54: {  	[sflag:s21] =	ssyncadd.s32 $0xFFFFC000  }
0x55: {  	[tilespmem:s18], [sflag:$0x1] =	stream.indirect.gather [hbm4b:s4+s17], $0x80, s0, s17, $0xb8;
	[tilespmem:$0x1C800] =	vst v63  }
0x56: {  	_ =	swait.ge [sflag:s22], $0x4000  }
0x57: {  	[sflag:s22] =	ssyncset.done $0x0  }
0x58: {  	[sflag:s22] =	ssyncadd.s32 $0xFFFFC000  }
0x59: {  	[spmem:s2] =	stream.indirect.scatter.add.f32 [tilespmem:s19], [sflag:$0x4], $0x80, s1, s17, $0xb8;
	[tilespmem:$0x1C800] =	vst v63  }
0x5a: {  	_ =	swait.ge [sflag:s24], $0x4000  }
0x5b: {  	[sflag:s24] =	ssyncset.done $0x0  }
0x5c: {  	[sflag:s24] =	ssyncadd.s32 $0xFFFFC000  }
0x5d: {  	[tilespmem:s19], [sflag:$0x2] =	stream.indirect.gather [hbm4b:s4+s17], $0x80, s7, s17, $0xb8;
	[tilespmem:$0x1C800] =	vst v63  }
0x5e: {  	_ =	swait.ge [sflag:s20], $0x4000  }
0x5f: {  	[sflag:s20] =	ssyncset.done $0x0  }
0x60: {  	[sflag:s20] =	ssyncadd.s32 $0xFFFFC000  }
0x61: {  	[spmem:s2] =	stream.indirect.scatter.add.f32 [tilespmem:s18], [sflag:$0x3], $0x80, s8, s17, $0xb8;
	[tilespmem:$0x1C800] =	vst v63  }
0x62: {  	_ =	swait.ge [sflag:s21], $0x4000  }
0x63: {  	[sflag:s21] =	ssyncset.done $0x0  }
0x64: {  	[sflag:s21] =	ssyncadd.s32 $0xFFFFC000  }
0x65: {  	_ =	swait.ge [sflag:s22], $0x4000  }
0x66: {  	s13 =	rddreg [dreg:$0x6]  }
0x67: {  	p0 =	sne.s32 s13, $0x1  }
.Ltmp0:
0x68: {  	[sflag:s22] =	ssyncset.done $0x0;
	(pc) =	sbr.rel @!p0 .LBB2_3-.Ltmp0, $4  }
0x69: {  	[sflag:s22] =	ssyncadd.s32 $0xFFFFC000  }
0x6a: {  	[spmem:s2] =	stream.indirect.scatter.add.f32 [tilespmem:s19], [sflag:$0x4], $0x80, s9, s17, $0xb8;
	[tilespmem:$0x1C800] =	vst v63  }
0x6b: {  	_ =	swait.ge [sflag:s24], $0x4000  }
0x6c: {  	s12 =	smov.u32 s5;
	s6 =	sadd.s32 $0xFFFFFFFF, s13;
	[sflag:s24] =	ssyncset.done $0x0  }
.LBB2_2:
0x6d: {  	[sflag:s24] =	ssyncadd.s32 $0xFFFFC000;
	s12 =	sadd.s32 $0x80, s12  }
0x6e: {  	[tilespmem:s3], [sflag:$0x6] =	stream.linear.gather [hbm4b:s12+s3], $0x400, $0x38;
	[tilespmem:$0x1C800] =	vst v63  }
0x6f: {  	_ =	swait.ge [sflag:s15], $0x400  }
0x70: {  	[sflag:s15] =	ssyncset.done $0x0  }
0x71: {  	s11 =	sadd.s32 $0x80, s11;
	[sflag:s15] =	ssyncadd.s32 $0xFFFFFC00  }
0x72: {  	[tilespmem:s16], [sflag:$0x6] =	stream.linear.gather [hbm4b:s11+s3], $0x400, $0x38;
	[tilespmem:$0x1C800] =	vst v63  }
0x73: {  	_ =	swait.ge [sflag:s15], $0x400  }
0x74: {  	[sflag:s15] =	ssyncset.done $0x0  }
0x75: {  	[sflag:s15] =	ssyncadd.s32 $0xFFFFFC00  }
0x76: {  	[tilespmem:s18], [sflag:$0x1] =	stream.indirect.gather [hbm4b:s4+s17], $0x80, s3, s17, $0xb8;
	[tilespmem:$0x1C800] =	vst v63  }
0x77: {  	_ = 	snop  }
0x78: {  	[tilespmem:s19], [sflag:$0x2] =	stream.indirect.gather [hbm4b:s4+s17], $0x80, s17, s17, $0xb8;
	[tilespmem:$0x1C800] =	vst v63  }
0x79: {  	_ =	swait.ge [sflag:s20], $0x4000  }
0x7a: {  	[sflag:s20] =	ssyncset.done $0x0  }
0x7b: {  	[sflag:s20] =	ssyncadd.s32 $0xFFFFC000  }
0x7c: {  	[spmem:s2] =	stream.indirect.scatter.add.f32 [tilespmem:s18], [sflag:$0x3], $0x80, s16, s17, $0xb8;
	[tilespmem:$0x1C800] =	vst v63  }
0x7d: {  	_ =	swait.ge [sflag:s21], $0x4000  }
0x7e: {  	[sflag:s21] =	ssyncset.done $0x0  }
0x7f: {  	s13 =	rddreg [dreg:$0x5];
	[sflag:s21] =	ssyncadd.s32 $0xFFFFC000  }
0x80: {  	[tilespmem:s18], [sflag:$0x1] =	stream.indirect.gather [hbm4b:s4+s17], $0x80, s13, s17, $0xb8;
	[tilespmem:$0x1C800] =	vst v63  }
0x81: {  	_ =	swait.ge [sflag:s22], $0x4000  }
0x82: {  	[sflag:s22] =	ssyncset.done $0x0  }
0x83: {  	[sflag:s22] =	ssyncadd.s32 $0xFFFFC000  }
0x84: {  	[spmem:s2] =	stream.indirect.scatter.add.f32 [tilespmem:s19], [sflag:$0x4], $0x80, s23, s17, $0xb8;
	[tilespmem:$0x1C800] =	vst v63  }
0x85: {  	_ =	swait.ge [sflag:s24], $0x4000  }
0x86: {  	[sflag:s24] =	ssyncset.done $0x0  }
0x87: {  	[sflag:s24] =	ssyncadd.s32 $0xFFFFC000  }
0x88: {  	[tilespmem:s19], [sflag:$0x2] =	stream.indirect.gather [hbm4b:s4+s17], $0x80, s25, s17, $0xb8;
	[tilespmem:$0x1C800] =	vst v63  }
0x89: {  	_ =	swait.ge [sflag:s20], $0x4000  }
0x8a: {  	[sflag:s20] =	ssyncset.done $0x0  }
0x8b: {  	[sflag:s20] =	ssyncadd.s32 $0xFFFFC000  }
0x8c: {  	[spmem:s2] =	stream.indirect.scatter.add.f32 [tilespmem:s18], [sflag:$0x3], $0x80, s26, s17, $0xb8;
	[tilespmem:$0x1C800] =	vst v63  }
0x8d: {  	_ =	swait.ge [sflag:s21], $0x4000  }
0x8e: {  	[sflag:s21] =	ssyncset.done $0x0  }
0x8f: {  	[sflag:s21] =	ssyncadd.s32 $0xFFFFC000  }
0x90: {  	[tilespmem:s18], [sflag:$0x1] =	stream.indirect.gather [hbm4b:s4+s17], $0x80, s28, s17, $0xb8;
	[tilespmem:$0x1C800] =	vst v63  }
0x91: {  	_ =	swait.ge [sflag:s22], $0x4000  }
0x92: {  	[sflag:s22] =	ssyncset.done $0x0  }
0x93: {  	[sflag:s22] =	ssyncadd.s32 $0xFFFFC000  }
0x94: {  	[spmem:s2] =	stream.indirect.scatter.add.f32 [tilespmem:s19], [sflag:$0x4], $0x80, s29, s17, $0xb8;
	[tilespmem:$0x1C800] =	vst v63  }
0x95: {  	_ =	swait.ge [sflag:s24], $0x4000  }
0x96: {  	[sflag:s24] =	ssyncset.done $0x0  }
0x97: {  	[sflag:s24] =	ssyncadd.s32 $0xFFFFC000  }
0x98: {  	[tilespmem:s19], [sflag:$0x2] =	stream.indirect.gather [hbm4b:s4+s17], $0x80, s30, s17, $0xb8;
	[tilespmem:$0x1C800] =	vst v63  }
0x99: {  	_ =	swait.ge [sflag:s20], $0x4000  }
0x9a: {  	[sflag:s20] =	ssyncset.done $0x0  }
0x9b: {  	[sflag:s20] =	ssyncadd.s32 $0xFFFFC000  }
0x9c: {  	[spmem:s2] =	stream.indirect.scatter.add.f32 [tilespmem:s18], [sflag:$0x3], $0x80, s31, s17, $0xb8;
	[tilespmem:$0x1C800] =	vst v63  }
0x9d: {  	_ =	swait.ge [sflag:s21], $0x4000  }
0x9e: {  	[sflag:s21] =	ssyncset.done $0x0  }
0x9f: {  	[sflag:s21] =	ssyncadd.s32 $0xFFFFC000  }
0xa0: {  	[tilespmem:s18], [sflag:$0x1] =	stream.indirect.gather [hbm4b:s4+s17], $0x80, s0, s17, $0xb8;
	[tilespmem:$0x1C800] =	vst v63  }
0xa1: {  	_ =	swait.ge [sflag:s22], $0x4000  }
0xa2: {  	[sflag:s22] =	ssyncset.done $0x0  }
0xa3: {  	[sflag:s22] =	ssyncadd.s32 $0xFFFFC000  }
0xa4: {  	[spmem:s2] =	stream.indirect.scatter.add.f32 [tilespmem:s19], [sflag:$0x4], $0x80, s1, s17, $0xb8;
	[tilespmem:$0x1C800] =	vst v63  }
0xa5: {  	_ =	swait.ge [sflag:s24], $0x4000  }
0xa6: {  	[sflag:s24] =	ssyncset.done $0x0  }
0xa7: {  	[sflag:s24] =	ssyncadd.s32 $0xFFFFC000  }
0xa8: {  	[tilespmem:s19], [sflag:$0x2] =	stream.indirect.gather [hbm4b:s4+s17], $0x80, s7, s17, $0xb8;
	[tilespmem:$0x1C800] =	vst v63  }
0xa9: {  	_ =	swait.ge [sflag:s20], $0x4000  }
0xaa: {  	[sflag:s20] =	ssyncset.done $0x0  }
0xab: {  	[sflag:s20] =	ssyncadd.s32 $0xFFFFC000  }
0xac: {  	[spmem:s2] =	stream.indirect.scatter.add.f32 [tilespmem:s18], [sflag:$0x3], $0x80, s8, s17, $0xb8;
	[tilespmem:$0x1C800] =	vst v63  }
0xad: {  	_ =	swait.ge [sflag:s21], $0x4000  }
0xae: {  	[sflag:s21] =	ssyncset.done $0x0  }
0xaf: {  	[sflag:s21] =	ssyncadd.s32 $0xFFFFC000  }
0xb0: {  	p0 =	sne.s32 s6, $0x1;
	_ =	swait.ge [sflag:s22], $0x4000  }
.Ltmp1:
0xb1: {  	[sflag:s22] =	ssyncset.done $0x0;
	(pc) =	sbr.rel @p0 .LBB2_2-.Ltmp1, $4  }
0xb2: {  	[sflag:s22] =	ssyncadd.s32 $0xFFFFC000  }
0xb3: {  	[spmem:s2] =	stream.indirect.scatter.add.f32 [tilespmem:s19], [sflag:$0x4], $0x80, s9, s17, $0xb8;
	[tilespmem:$0x1C800] =	vst v63  }
0xb4: {  	_ =	swait.ge [sflag:s24], $0x4000  }
0xb5: {  	s6 =	sadd.s32 $0xFFFFFFFF, s6;
	[sflag:s24] =	ssyncset.done $0x0  }
.LBB2_3:
0xb6: {  	[sflag:s24] =	ssyncadd.s32 $0xFFFFC000  }
0xb7: {  	[bflag:$0x0] =	sbarrier.arrive $0xFFFF  }
0xb8: {  	s6 =	rddreg [dreg:$0x7]  }
0xb9: {  	s11 =	rddreg [dreg:$0xa];
	s6 =	sor.u32 $0x1C06, s6  }
0xba: {  	[hbm:s11], [sflag:s6] =	dma.local [spmem:s14], $0x2800  }
0xbb: {  	_ =	swait.ge [sflag:s15], $0x2800  }
0xbc: {  	s12 =	smov.u32 s14;
	s10 =	sadd.s32 $0x1, s10;
	s14 =	rddreg [dreg:$0xb]  }
0xbd: {  	p0 =	sne.s32 s10, s14  }
.Ltmp2:
0xbe: {  	_ = 	snop;
	(pc) =	sbr.rel @p0 .LBB2_1-.Ltmp2, $3  }
0xbf: {  	_ =	sdelay $0x1  }
0xc0: {  	[sflag:s15] =	ssyncset.done $0x0  }
0xc1: {  	[sflag:s15] =	ssyncadd.s32 $0xFFFFD800  }
0xc2: {  	_ =	sfence.sel $0x180000  }
0xc3: {  	[bflag:$0x0] =	sbarrier.arrive $0xFFFF  }
0xc4: {  	_ =	strace $0x9000004A  }
0xc5: {  	s0 =	stileid.u32;
	[bflag:$0x2] =	sbarrier.arrive $0xFFFF  }
0xc6: {  	p0 =	sne.s32 s0, $0x0;
	s0 =	rddreg [dreg:$0x4]  }
0xc7: {  	s0 =	sadd.s32 @!p0 $0x100000, s0  }
0xc8: {  	[sflag:s0] =	ssyncadd.tile.s32 @!p0 $0x1;
	_ =	shalt  }
.Lfunc_end2:
_tile_overlayer_lowered:
.L_overlay_start_2:
0xc9: {  	(tag) =	ssettag $0x2  }
0xca: {  	s0 =	rddreg [dreg:$0x0];
	s2 =	stileid.u32  }
0xcb: {  	s1 =	rddreg [dreg:$0x1];
	p0 =	sne.s32 s2, $0x0  }
0xcc: {  	s3 =	rddreg [dreg:$0x2];
	[bflag:$0x3] =	sbarrier.arrive $0xFFFF;
	s2 =	simm.s32 @!p0 $0x1C06  }
0xcd: {  	[timem:s3], [sflag:s2] =	dma.local @!p0 [hbm:s0], s1  }
0xce: {  	s0 =	simm.s32 @!p0 $0x6  }
0xcf: {  	_ =	swait.ge @!p0 [sflag:s0], s1  }
0xd0: {  	s1 =	ssub.s32 @!p0 $0x0, s1;
	[sflag:s0] =	ssyncset.done @!p0 $0x0  }
0xd1: {  	[sflag:s0] =	ssyncadd.s32 @!p0 s1  }
0xd2: {  	[bflag:$0x3] =	sbarrier.arrive $0xFFFF  }
0xd3: {  	_ =	shalt  }

// kernel: kernel.14.cloned.1.call-start
scs
__scs_entry_jumppad:
0x0: {  	(pc) =	sbr.rel $0x88, $3  }
0x1: {  	(tag) =	ssettag $0x0;
	lr =	simm.s32 $0x1  }
0x2: {  	[smem:$0x3F99] =	sst lr;
	_ =	strace $0xD0000000  }
0x3: {  	_ = 	snop  }
0x4: {  	_ = 	snop  }
0x5: {  	_ = 	snop  }
0x6: {  	_ = 	snop  }
0x7: {  	_ = 	snop  }
__scs_overlays_trampoline_lowered:
0x8: {  	[smem:$0x3FA8] =	sst s0  }
0x9: {  	[smem:$0x3FA9] =	sst s1  }
0xa: {  	[smem:$0x3FAA] =	sst s2  }
0xb: {  	[smem:$0x3FAB] =	sst s3  }
0xc: {  	[smem:$0x3FAC] =	sst s4  }
0xd: {  	[smem:$0x3FAD] =	sst s5  }
0xe: {  	[smem:$0x3FAE] =	sst s6  }
0xf: {  	[smem:$0x3FAF] =	sst s7  }
0x10: {  	[smem:$0x3FB0] =	sst s8  }
0x11: {  	[smem:$0x3FB1] =	sst s9;
	s0 =	simm.s32 @!p0 $0x0  }
0x12: {  	s1 =	sld [smem:$0x3F97];
	s0 =	simm.s32 @p0 $0x1  }
0x13: {  	[smem:$0x3FB2] =	sst s0;
	s0 =	simm.s32 @!p1 $0x0  }
0x14: {  	s2 =	sld [smem:$0x3F96];
	s0 =	simm.s32 @p1 $0x1  }
0x15: {  	[smem:$0x3FB3] =	sst s0;
	s0 =	simm.s32 @!p2 $0x0  }
0x16: {  	s3 =	sld [smem:$0x3FDB];
	s0 =	simm.s32 @p2 $0x1  }
0x17: {  	s4 =	simm.s32 $0x1BF5;
	[smem:$0x3FB5] =	sst s0  }
0x18: {  	s0 =	sld [smem:$0x3F98];
	_ =	swait.ge [sflag:s4], $0x0  }
0x19: {  	s7 =	sld [smem:$0x3F99]  }
0x1a: {  	s8 =	sadd.s32 $0xFFFFE003, lr  }
0x1b: {  	s9 =	sadd.s32 $0xFFFFFEF7, lr;
	s5 =	simm.s32 $0xFFFFFFFF;
	p2 =	slt.u32 s8, $0xFFFFF086  }
0x1c: {  	p1 =	slt.u32 s9, $0xF7A;
	s5 =	simm.s32 @!p2 $0x0  }
0x1d: {  	s5 =	simm.s32 @p1 $0x1;
	p0 =	seq.s32 s7, s2  }
0x1e: {  	s7 =	smul.u32 @!p0 $0xF7A, s2;
	p2 =	seq.s32 @!p0 s5, $0x0  }
0x1f: {  	s9 =	smul.u32 $0xF7A, s1;
	s8 =	simm.s32 @!p0 $0x1BF5;
	p2 =	por !p2, p0  }
0x20: {  	[sflag:s8] =	ssyncset.s32 @!p0 $0xFFFFF086;
	s6 =	sadd.s32 @!p0 s3, s7;
	s7 =	simm.s32 @!p0 $0x108  }
0x21: {  	s3 =	sadd.s32 s3, s9;
	s6 =	sadd.s32 @!p0 $0x88, s6;
	s7 =	simm.s32 @p2 $0x1082  }
0x22: {  	[simem:s7], [sflag:s8] =	dma.local @!p0 [hbm:s6], $0xF7A  }
0x23: {  	s9 =	sor.u32 $0xD0000000, s2;
	s6 =	simm.s32 $0x108;
	_ =	swait.ge @!p0 [sflag:s8], $0x0  }
0x24: {  	s3 =	sadd.s32 $0x88, s3;
	s6 =	simm.s32 @!p1 $0x1082;
	[sflag:s4] =	ssyncset.s32 $0xFFFFF086  }
0x25: {  	[simem:s6], [sflag:s4] =	dma.local [hbm:s3], $0xF7A  }
0x26: {  	[smem:$0x3F99] =	sst s1;
	(tag) =	ssettag s2;
	_ =	strace s9  }
0x27: {  	s1 =	sld [smem:$0x3FA9]  }
0x28: {  	s2 =	sld [smem:$0x3FAA]  }
0x29: {  	s4 =	sld [smem:$0x3FAC]  }
0x2a: {  	p0 =	seq.s32 s5, $0x0;
	s5 =	sld [smem:$0x3FAD]  }
0x2b: {  	s6 =	sld [smem:$0x3FAE]  }
0x2c: {  	s7 =	sld [smem:$0x3FAF]  }
0x2d: {  	s3 =	simm.s32 $0x108;
	s8 =	sld [smem:$0x3FB0]  }
0x2e: {  	s3 =	simm.s32 @!p0 $0x1082;
	s9 =	sld [smem:$0x3FB1]  }
0x2f: {  	lr =	sadd.s32 s0, s3;
	s0 =	sld [smem:$0x3FA8]  }
0x30: {  	s3 =	sld [smem:$0x3FAB]  }
0x31: {  	[smem:$0x3FB4] =	sst s10  }
0x32: {  	s10 =	sld [smem:$0x3FB2];
	_ =	sdelay $0x3  }
0x33: {  	p0 =	seq.s32 s10, $0x1;
	s10 =	sld [smem:$0x3FB4];
	_ =	sdelay $0x3  }
0x34: {  	[smem:$0x3FB4] =	sst s10  }
0x35: {  	s10 =	sld [smem:$0x3FB3];
	_ =	sdelay $0x3  }
0x36: {  	p1 =	seq.s32 s10, $0x1;
	s10 =	sld [smem:$0x3FB4];
	_ =	sdelay $0x3  }
0x37: {  	[smem:$0x3FB4] =	sst s10  }
0x38: {  	s10 =	sld [smem:$0x3FB5]  }
0x39: {  	_ = 	snop;
	(pc) =	sbr.ind lr, $3  }
0x3a: {  	_ = 	snop  }
0x3b: {  	_ = 	snop  }
0x3c: {  	p2 =	seq.s32 s10, $0x1;
	s10 =	sld [smem:$0x3FB4]  }
0x3d: {  	_ =	shalt  }
0x3e: {  	_ =	shalt  }
0x3f: {  	_ =	shalt  }
0x40: {  	_ =	shalt  }
0x41: {  	_ =	shalt  }
0x42: {  	_ =	shalt  }
0x43: {  	_ =	shalt  }
0x44: {  	_ =	shalt  }
0x45: {  	_ =	shalt  }
0x46: {  	_ =	shalt  }
0x47: {  	_ =	shalt  }
0x48: {  	_ =	shalt  }
0x49: {  	_ =	shalt  }
0x4a: {  	_ =	shalt  }
0x4b: {  	_ =	shalt  }
0x4c: {  	_ =	shalt  }
0x4d: {  	_ =	shalt  }
0x4e: {  	_ =	shalt  }
0x4f: {  	_ =	shalt  }
0x50: {  	_ =	shalt  }
0x51: {  	_ =	shalt  }
0x52: {  	_ =	shalt  }
0x53: {  	_ =	shalt  }
0x54: {  	_ =	shalt  }
0x55: {  	_ =	shalt  }
0x56: {  	_ =	shalt  }
0x57: {  	_ =	shalt  }
0x58: {  	_ =	shalt  }
0x59: {  	_ =	shalt  }
0x5a: {  	_ =	shalt  }
0x5b: {  	_ =	shalt  }
0x5c: {  	_ =	shalt  }
0x5d: {  	_ =	shalt  }
0x5e: {  	_ =	shalt  }
0x5f: {  	_ =	shalt  }
0x60: {  	_ =	shalt  }
0x61: {  	_ =	shalt  }
0x62: {  	_ =	shalt  }
0x63: {  	_ =	shalt  }
0x64: {  	_ =	shalt  }
0x65: {  	_ =	shalt  }
0x66: {  	_ =	shalt  }
0x67: {  	_ =	shalt  }
0x68: {  	_ =	shalt  }
0x69: {  	_ =	shalt  }
0x6a: {  	_ =	shalt  }
0x6b: {  	_ =	shalt  }
0x6c: {  	_ =	shalt  }
0x6d: {  	_ =	shalt  }
0x6e: {  	_ =	shalt  }
0x6f: {  	_ =	shalt  }
0x70: {  	_ =	shalt  }
0x71: {  	_ =	shalt  }
0x72: {  	_ =	shalt  }
0x73: {  	_ =	shalt  }
0x74: {  	_ =	shalt  }
0x75: {  	_ =	shalt  }
0x76: {  	_ =	shalt  }
0x77: {  	_ =	shalt  }
0x78: {  	_ =	shalt  }
0x79: {  	_ =	shalt  }
0x7a: {  	_ =	shalt  }
0x7b: {  	_ =	shalt  }
0x7c: {  	_ =	shalt  }
0x7d: {  	_ =	shalt  }
0x7e: {  	_ =	shalt  }
0x7f: {  	_ =	shalt  }
0x80: {  	_ =	shalt  }
0x81: {  	_ =	shalt  }
0x82: {  	_ =	shalt  }
0x83: {  	_ =	shalt  }
0x84: {  	_ =	shalt  }
0x85: {  	_ =	shalt  }
0x86: {  	_ =	shalt  }
0x87: {  	_ =	shalt  }
.Lfunc_end0:
.L_simem_size_0:
called_computation.2_lowered:
.L_overlay_start_0:
0x88: {  	s2 =	sld [smem:$0x3FD9]  }
0x89: {  	s3 =	sld [smem:$0x3FFE];
	_ =	sdelay $0x1  }
0x8a: {  	s1 =	srdreg.scid  }
0x8b: {  	s0 =	sand.u32 $0x1, s1  }
0x8c: {  	s14 =	sshll.u32 s0, $0xA;
	s2 =	sadd.s32 s3, s2  }
0x8d: {  	s2 =	sadd.s32 s2, s14  }
0x8e: {  	[smem:$0x3FC0] =	sst s2  }
0x8f: {  	_ = 	snop  }
0x90: {  	s2 =	sld [smem:$0x3FD0];
	_ =	sdelay $0x2  }
0x91: {  	s15 =	simm.s32 $0xA;
	s4 =	simm.s32 $0x10  }
0x92: {  	[smem:s4], [sflag:s15] =	dma.local [hbm:s2], $0x1  }
0x93: {  	_ =	swait.eq [sflag:s15], $0x1  }
0x94: {  	[sflag:s15] =	ssyncset.done $0x0  }
0x95: {  	s16 =	sld [smem:$0x10];
	[sflag:s15] =	ssyncadd.s32 $0xFFFFFFFF  }
0x96: {  	s17 =	sld [smem:$0x11];
	(tm) =	ssettm $0x1  }
0x97: {  	s18 =	sld [smem:$0x3FFB];
	_ =	sdelay $0x3  }
0x98: {  	_ =	strace s18  }
0x99: {  	s4 =	sld [smem:$0x3FFC];
	_ =	sdelay $0x3  }
0x9a: {  	_ =	strace s4  }
0x9b: {  	s4 =	sld [smem:$0x3FFD];
	_ =	sdelay $0x3  }
0x9c: {  	_ =	strace s4  }
0x9d: {  	_ =	strace $0x8FFFFFFF  }
0x9e: {  	s19 =	sld [smem:$0x3FDB];
	_ =	sdelay $0x1  }
0x9f: {  	s5 =	simm.s32 $_scs_section_size  }
0xa0: {  	s6 =	simm.s32 $_size__tile_overlayer_lowered;
	s7 =	simm.s32 $_tile_overlayer_lowered  }
0xa1: {  	s22 =	simm.s32 $0x1BFF;
	s21 =	sshll.u32 s7, $0x1;
	s4 =	sadd.s32 s5, s19  }
0xa2: {  	s8 =	simm.s32 $0x0;
	s20 =	sshll.u32 s6, $0x1;
	s6 =	sadd.s32 s21, s4  }
0xa3: {  	[timem:s8], [sflag:s22] =	dma.local [hbm:s6], s20  }
0xa4: {  	_ =	swait.ge [sflag:s22], s20  }
0xa5: {  	s5 =	ssub.s32 $0x0, s20;
	[sflag:s22] =	ssyncset.done $0x0  }
0xa6: {  	[sflag:s22] =	ssyncadd.s32 s5;
	_ =	sdelay $0x1  }
0xa7: {  	s23 =	simm.s32 $0x1B8B  }
0xa8: {  	_ =	swait.ge [sflag:s23], $0x1  }
0xa9: {  	[sflag:s23] =	ssyncset.done $0x0  }
0xaa: {  	s25 =	simm.s32 $0x1B8E;
	s24 =	sld [smem:$0x3FFE];
	[sflag:s23] =	ssyncadd.s32 $0xFFFFFFFF  }
0xab: {  	s26 =	simm.s32 $execute0_lowered;
	[smem:$0x3FD2] =	sst s25  }
0xac: {  	s6 =	sshll.u32 s26, $0x1;
	_ =	strace $0x8000004C;
	[dreg:$0x1] =	wrdreg $0xFFFFFFFF  }
0xad: {  	s28 =	simm.s32 $_size_execute0_lowered;
	s4 =	sadd.s32 s4, s6;
	[dreg:$0x0] =	wrdreg $0x0  }
0xae: {  	s6 =	sshll.u32 s28, $0x1;
	[dreg:$0x2] =	wrdreg s4  }
0xaf: {  	[dreg:$0x3] =	wrdreg s6  }
0xb0: {  	[dreg:$0x4] =	wrdreg $0xC0  }
0xb1: {  	_ =	task [dreg:s8], $0x5FFFF  }
0xb2: {  	[dreg:$0x1] =	wrdreg $0xFFFFFFFF  }
0xb3: {  	[dreg:$0x0] =	wrdreg $0x60  }
0xb4: {  	[dreg:$0x2] =	wrdreg s16  }
0xb5: {  	[dreg:$0x3] =	wrdreg s17  }
0xb6: {  	[dreg:$0x4] =	wrdreg s24  }
0xb7: {  	[dreg:$0x5] =	wrdreg $0x88000  }
0xb8: {  	[dreg:$0x6] =	wrdreg $0x9  }
0xb9: {  	_ =	task.clear_ibuf [dreg:s8], $0x7FFFF;
	_ =	strace $0x9000004C  }
0xba: {  	s29 =	simm.s32 $0x9;
	_ =	strace $0x8000004E  }
0xbb: {  	_ =	swait.ge [sflag:s29], $0x1  }
0xbc: {  	[sflag:s29] =	ssyncadd.s32 $0xFFFFFFFF  }
0xbd: {  	_ =	strace $0x9000004E  }
0xbe: {  	_ =	sfence  }
0xbf: {  	s30 =	sld [smem:$0x0];
	_ =	sdelay $0x2  }
0xc0: {  	s31 =	sshll.u32 s1, $0xD;
	s1 =	sshrl.u32 s1, $0x2  }
0xc1: {  	s3 =	sand.u32 $0x4000, s31;
	s1 =	sadd.s32 s1, s30  }
0xc2: {  	s0 =	sor.u32 s3, s0;
	s1 =	sshll.u32 s1, $0x11  }
0xc3: {  	s0 =	sor.u32 s1, s0  }
0xc4: {  	s0 =	sadd.s32 $0x8F2B, s0  }
0xc5: {  	[sflag:s0] =	ssyncadd.remote.s32 $0x1  }
0xc6: {  	_ =	sfence.sel $0xFFFF  }
0xc7: {  	[dreg:$0x0] =	wrdreg $0xFFFFFFFF;
	(pc) =	sbr.abs _section_cstart, $3  }
0xc8: {  	[dreg:$0x1] =	wrdreg $0xFFFFFFFF  }
0xc9: {  	_ =	task.clear_ibuf [dreg:s8], $0x2FFFF;
	_ =	strace $0x9FFFFFFF  }
0xca: {  	(tm) =	ssettm $0x7FFFFFFF  }
0xcb: {  	_ =	shalt  }
tec
execute0_lowered:
.L_overlay_start_1:
0x0: {  	(tag) =	ssettag $0x1  }
0x1: {  	s0 =	rddreg [dreg:$0x0]  }
0x2: {  	s1 =	rddreg [dreg:$0x1]  }
0x3: {  	s5 =	rddreg [dreg:$0x2]  }
0x4: {  	s2 =	rddreg [dreg:$0x3]  }
0x5: {  	s14 =	stileid.u32;
	s4 =	srdreg.scid;
	s3 =	simm.s32 $0x0  }
0x6: {  	s15 =	simm.s32 $0x6;
	s16 =	simm.s32 $0x400;
	s17 =	simm.s32 $0x80  }
0x7: {  	s18 =	simm.s32 $0x800;
	s26 =	simm.s32 $0x100;
	s28 =	simm.s32 $0x200  }
0x8: {  	s29 =	simm.s32 $0x580;
	s30 =	simm.s32 $0x280;
	s6 =	smul.u32 $0x14000, s14  }
0x9: {  	s31 =	simm.s32 $0x600;
	s7 =	sand.u32 $0x1, s4;
	s10 =	smul.u32 $0xA0, s14  }
0xa: {  	[smem:$0x7FF] =	sst s3;
	s4 =	sadd.s32 $0x3200, s5;
	s13 =	smul.u32 $0x50000, s14  }
0xb: {  	s23 =	sshll.u32 s14, $0x6;
	s8 =	smul.u32 $0x140000, s7;
	_ =	strace $0x8000004D  }
0xc: {  	s19 =	ssub.s32 $0x2, s7;
	s12 =	sshll.u32 s7, $0x7;
	[dreg:$0x7] =	wrdreg s23  }
0xd: {  	p0 =	seq.s32 s7, $0x0;
	s24 =	sor.u32 $0x1C05, s23;
	[dreg:$0x5] =	wrdreg s26  }
0xe: {  	s23 =	simm.s32 $0x480;
	s26 =	simm.s32 $0x500;
	s9 =	sshrl.u32 s6, $0x3  }
0xf: {  	s11 =	sshrl.u32 s19, $0x1;
	s21 =	sadd.s32 s12, s10;
	s10 =	simm.s32 $0x10  }
0x10: {  	s22 =	sshrl.u32 s13, $0x2;
	[dreg:$0x9] =	wrdreg s24;
	s24 =	simm.s32 $0x4  }
0x11: {  	s9 =	sadd.s32 s9, s5;
	s6 =	sadd.s32 s6, s8;
	s20 =	ssub.s32 s19, s11  }
0x12: {  	s10 =	simm.s32 @!p0 $0x4;
	s7 =	sadd.s32 s22, s2;
	s8 =	sshll.u32 s21, $0x4  }
0x13: {  	s19 =	simm.s32 $0x4800;
	s21 =	simm.s32 $0x3;
	s22 =	simm.s32 $0x2  }
0x14: {  	s6 =	sshrl.u32 s6, $0x3;
	[dreg:$0x6] =	wrdreg s10;
	s9 =	sadd.s32 $0x53200, s9  }
0x15: {  	s25 =	smax.u32 s20, $0x1;
	s1 =	sadd.s32 s8, s1;
	s12 =	sshrl.u32 s7, $0x3  }
0x16: {  	s20 =	simm.s32 $0x1;
	s7 =	simm.s32 $0x380;
	[dreg:$0x8] =	wrdreg s9  }
0x17: {  	s10 =	simm.s32 $0x0;
	s5 =	sadd.s32 s6, s5;
	[dreg:$0xb] =	wrdreg s25  }
0x18: {  	[dreg:$0xc] =	wrdreg s1;
	s25 =	simm.s32 $0x180;
	s5 =	sadd.s32 $0x7B200, s5  }
0x19: {  	s1 =	simm.s32 $0x680;
	s9 =	simm.s32 $0x780;
	[dreg:$0xa] =	wrdreg s5  }
0x1a: {  	s5 =	sadd.s32 s8, s0;
	s0 =	simm.s32 $0x300;
	s8 =	simm.s32 $0x700  }
.LBB2_1:
0x1b: {  	s6 =	rddreg [dreg:$0x8]  }
0x1c: {  	s11 =	rddreg [dreg:$0x9]  }
0x1d: {  	[spmem:s12], [sflag:s11] =	dma.local [hbm:s6], $0x2800  }
0x1e: {  	s11 =	simm.s32 $0x5  }
0x1f: {  	_ =	swait.ge [sflag:s11], $0x2800  }
0x20: {  	[sflag:s11] =	ssyncset.done $0x0  }
0x21: {  	[sflag:s11] =	ssyncadd.s32 $0xFFFFD800  }
0x22: {  	[bflag:$0x0] =	sbarrier.arrive $0xFFFF  }
0x23: {  	[tilespmem:s3], [sflag:$0x6] =	stream.linear.gather [hbm4b:s5+s3], $0x400, $0x38;
	[tilespmem:$0x1C800] =	vst v63  }
0x24: {  	_ =	swait.ge [sflag:s15], $0x400  }
0x25: {  	[sflag:s15] =	ssyncset.done $0x0  }
0x26: {  	s11 =	rddreg [dreg:$0xc];
	[sflag:s15] =	ssyncadd.s32 $0xFFFFFC00  }
0x27: {  	[tilespmem:s16], [sflag:$0x6] =	stream.linear.gather [hbm4b:s11+s3], $0x400, $0x38;
	[tilespmem:$0x1C800] =	vst v63  }
0x28: {  	_ =	swait.ge [sflag:s15], $0x400  }
0x29: {  	[sflag:s15] =	ssyncset.done $0x0  }
0x2a: {  	[sflag:s15] =	ssyncadd.s32 $0xFFFFFC00  }
0x2b: {  	[tilespmem:s18], [sflag:$0x1] =	stream.indirect.gather [hbm4b:s4+s17], $0x80, s3, s17, $0xb8;
	[tilespmem:$0x1C800] =	vst v63  }
0x2c: {  	_ = 	snop  }
0x2d: {  	[tilespmem:s19], [sflag:$0x2] =	stream.indirect.gather [hbm4b:s4+s17], $0x80, s17, s17, $0xb8;
	[tilespmem:$0x1C800] =	vst v63  }
0x2e: {  	_ =	swait.ge [sflag:s20], $0x4000  }
0x2f: {  	[sflag:s20] =	ssyncset.done $0x0  }
0x30: {  	[sflag:s20] =	ssyncadd.s32 $0xFFFFC000  }
0x31: {  	[spmem:s2] =	stream.indirect.scatter.add.f32 [tilespmem:s18], [sflag:$0x3], $0x80, s16, s17, $0xb8;
	[tilespmem:$0x1C800] =	vst v63  }
0x32: {  	_ =	swait.ge [sflag:s21], $0x4000  }
0x33: {  	[sflag:s21] =	ssyncset.done $0x0  }
0x34: {  	s14 =	smov.u32 s12;
	s12 =	rddreg [dreg:$0x5];
	[sflag:s21] =	ssyncadd.s32 $0xFFFFC000  }
0x35: {  	[tilespmem:s18], [sflag:$0x1] =	stream.indirect.gather [hbm4b:s4+s17], $0x80, s12, s17, $0xb8;
	[tilespmem:$0x1C800] =	vst v63  }
0x36: {  	_ =	swait.ge [sflag:s22], $0x4000  }
0x37: {  	[sflag:s22] =	ssyncset.done $0x0  }
0x38: {  	[sflag:s22] =	ssyncadd.s32 $0xFFFFC000  }
0x39: {  	[spmem:s2] =	stream.indirect.scatter.add.f32 [tilespmem:s19], [sflag:$0x4], $0x80, s23, s17, $0xb8;
	[tilespmem:$0x1C800] =	vst v63  }
0x3a: {  	_ =	swait.ge [sflag:s24], $0x4000  }
0x3b: {  	[sflag:s24] =	ssyncset.done $0x0  }
0x3c: {  	[sflag:s24] =	ssyncadd.s32 $0xFFFFC000  }
0x3d: {  	[tilespmem:s19], [sflag:$0x2] =	stream.indirect.gather [hbm4b:s4+s17], $0x80, s25, s17, $0xb8;
	[tilespmem:$0x1C800] =	vst v63  }
0x3e: {  	_ =	swait.ge [sflag:s20], $0x4000  }
0x3f: {  	[sflag:s20] =	ssyncset.done $0x0  }
0x40: {  	[sflag:s20] =	ssyncadd.s32 $0xFFFFC000  }
0x41: {  	[spmem:s2] =	stream.indirect.scatter.add.f32 [tilespmem:s18], [sflag:$0x3], $0x80, s26, s17, $0xb8;
	[tilespmem:$0x1C800] =	vst v63  }
0x42: {  	_ =	swait.ge [sflag:s21], $0x4000  }
0x43: {  	[sflag:s21] =	ssyncset.done $0x0  }
0x44: {  	[sflag:s21] =	ssyncadd.s32 $0xFFFFC000  }
0x45: {  	[tilespmem:s18], [sflag:$0x1] =	stream.indirect.gather [hbm4b:s4+s17], $0x80, s28, s17, $0xb8;
	[tilespmem:$0x1C800] =	vst v63  }
0x46: {  	_ =	swait.ge [sflag:s22], $0x4000  }
0x47: {  	[sflag:s22] =	ssyncset.done $0x0  }
0x48: {  	[sflag:s22] =	ssyncadd.s32 $0xFFFFC000  }
0x49: {  	[spmem:s2] =	stream.indirect.scatter.add.f32 [tilespmem:s19], [sflag:$0x4], $0x80, s29, s17, $0xb8;
	[tilespmem:$0x1C800] =	vst v63  }
0x4a: {  	_ =	swait.ge [sflag:s24], $0x4000  }
0x4b: {  	[sflag:s24] =	ssyncset.done $0x0  }
0x4c: {  	[sflag:s24] =	ssyncadd.s32 $0xFFFFC000  }
0x4d: {  	[tilespmem:s19], [sflag:$0x2] =	stream.indirect.gather [hbm4b:s4+s17], $0x80, s30, s17, $0xb8;
	[tilespmem:$0x1C800] =	vst v63  }
0x4e: {  	_ =	swait.ge [sflag:s20], $0x4000  }
0x4f: {  	[sflag:s20] =	ssyncset.done $0x0  }
0x50: {  	[sflag:s20] =	ssyncadd.s32 $0xFFFFC000  }
0x51: {  	[spmem:s2] =	stream.indirect.scatter.add.f32 [tilespmem:s18], [sflag:$0x3], $0x80, s31, s17, $0xb8;
	[tilespmem:$0x1C800] =	vst v63  }
0x52: {  	_ =	swait.ge [sflag:s21], $0x4000  }
0x53: {  	[sflag:s21] =	ssyncset.done $0x0  }
0x54: {  	[sflag:s21] =	ssyncadd.s32 $0xFFFFC000  }
0x55: {  	[tilespmem:s18], [sflag:$0x1] =	stream.indirect.gather [hbm4b:s4+s17], $0x80, s0, s17, $0xb8;
	[tilespmem:$0x1C800] =	vst v63  }
0x56: {  	_ =	swait.ge [sflag:s22], $0x4000  }
0x57: {  	[sflag:s22] =	ssyncset.done $0x0  }
0x58: {  	[sflag:s22] =	ssyncadd.s32 $0xFFFFC000  }
0x59: {  	[spmem:s2] =	stream.indirect.scatter.add.f32 [tilespmem:s19], [sflag:$0x4], $0x80, s1, s17, $0xb8;
	[tilespmem:$0x1C800] =	vst v63  }
0x5a: {  	_ =	swait.ge [sflag:s24], $0x4000  }
0x5b: {  	[sflag:s24] =	ssyncset.done $0x0  }
0x5c: {  	[sflag:s24] =	ssyncadd.s32 $0xFFFFC000  }
0x5d: {  	[tilespmem:s19], [sflag:$0x2] =	stream.indirect.gather [hbm4b:s4+s17], $0x80, s7, s17, $0xb8;
	[tilespmem:$0x1C800] =	vst v63  }
0x5e: {  	_ =	swait.ge [sflag:s20], $0x4000  }
0x5f: {  	[sflag:s20] =	ssyncset.done $0x0  }
0x60: {  	[sflag:s20] =	ssyncadd.s32 $0xFFFFC000  }
0x61: {  	[spmem:s2] =	stream.indirect.scatter.add.f32 [tilespmem:s18], [sflag:$0x3], $0x80, s8, s17, $0xb8;
	[tilespmem:$0x1C800] =	vst v63  }
0x62: {  	_ =	swait.ge [sflag:s21], $0x4000  }
0x63: {  	[sflag:s21] =	ssyncset.done $0x0  }
0x64: {  	[sflag:s21] =	ssyncadd.s32 $0xFFFFC000  }
0x65: {  	_ =	swait.ge [sflag:s22], $0x4000  }
0x66: {  	s13 =	rddreg [dreg:$0x6]  }
0x67: {  	p0 =	sne.s32 s13, $0x1  }
.Ltmp0:
0x68: {  	[sflag:s22] =	ssyncset.done $0x0;
	(pc) =	sbr.rel @!p0 .LBB2_3-.Ltmp0, $4  }
0x69: {  	[sflag:s22] =	ssyncadd.s32 $0xFFFFC000  }
0x6a: {  	[spmem:s2] =	stream.indirect.scatter.add.f32 [tilespmem:s19], [sflag:$0x4], $0x80, s9, s17, $0xb8;
	[tilespmem:$0x1C800] =	vst v63  }
0x6b: {  	_ =	swait.ge [sflag:s24], $0x4000  }
0x6c: {  	s12 =	smov.u32 s5;
	s6 =	sadd.s32 $0xFFFFFFFF, s13;
	[sflag:s24] =	ssyncset.done $0x0  }
.LBB2_2:
0x6d: {  	[sflag:s24] =	ssyncadd.s32 $0xFFFFC000;
	s12 =	sadd.s32 $0x80, s12  }
0x6e: {  	[tilespmem:s3], [sflag:$0x6] =	stream.linear.gather [hbm4b:s12+s3], $0x400, $0x38;
	[tilespmem:$0x1C800] =	vst v63  }
0x6f: {  	_ =	swait.ge [sflag:s15], $0x400  }
0x70: {  	[sflag:s15] =	ssyncset.done $0x0  }
0x71: {  	s11 =	sadd.s32 $0x80, s11;
	[sflag:s15] =	ssyncadd.s32 $0xFFFFFC00  }
0x72: {  	[tilespmem:s16], [sflag:$0x6] =	stream.linear.gather [hbm4b:s11+s3], $0x400, $0x38;
	[tilespmem:$0x1C800] =	vst v63  }
0x73: {  	_ =	swait.ge [sflag:s15], $0x400  }
0x74: {  	[sflag:s15] =	ssyncset.done $0x0  }
0x75: {  	[sflag:s15] =	ssyncadd.s32 $0xFFFFFC00  }
0x76: {  	[tilespmem:s18], [sflag:$0x1] =	stream.indirect.gather [hbm4b:s4+s17], $0x80, s3, s17, $0xb8;
	[tilespmem:$0x1C800] =	vst v63  }
0x77: {  	_ = 	snop  }
0x78: {  	[tilespmem:s19], [sflag:$0x2] =	stream.indirect.gather [hbm4b:s4+s17], $0x80, s17, s17, $0xb8;
	[tilespmem:$0x1C800] =	vst v63  }
0x79: {  	_ =	swait.ge [sflag:s20], $0x4000  }
0x7a: {  	[sflag:s20] =	ssyncset.done $0x0  }
0x7b: {  	[sflag:s20] =	ssyncadd.s32 $0xFFFFC000  }
0x7c: {  	[spmem:s2] =	stream.indirect.scatter.add.f32 [tilespmem:s18], [sflag:$0x3], $0x80, s16, s17, $0xb8;
	[tilespmem:$0x1C800] =	vst v63  }
0x7d: {  	_ =	swait.ge [sflag:s21], $0x4000  }
0x7e: {  	[sflag:s21] =	ssyncset.done $0x0  }
0x7f: {  	s13 =	rddreg [dreg:$0x5];
	[sflag:s21] =	ssyncadd.s32 $0xFFFFC000  }
0x80: {  	[tilespmem:s18], [sflag:$0x1] =	stream.indirect.gather [hbm4b:s4+s17], $0x80, s13, s17, $0xb8;
	[tilespmem:$0x1C800] =	vst v63  }
0x81: {  	_ =	swait.ge [sflag:s22], $0x4000  }
0x82: {  	[sflag:s22] =	ssyncset.done $0x0  }
0x83: {  	[sflag:s22] =	ssyncadd.s32 $0xFFFFC000  }
0x84: {  	[spmem:s2] =	stream.indirect.scatter.add.f32 [tilespmem:s19], [sflag:$0x4], $0x80, s23, s17, $0xb8;
	[tilespmem:$0x1C800] =	vst v63  }
0x85: {  	_ =	swait.ge [sflag:s24], $0x4000  }
0x86: {  	[sflag:s24] =	ssyncset.done $0x0  }
0x87: {  	[sflag:s24] =	ssyncadd.s32 $0xFFFFC000  }
0x88: {  	[tilespmem:s19], [sflag:$0x2] =	stream.indirect.gather [hbm4b:s4+s17], $0x80, s25, s17, $0xb8;
	[tilespmem:$0x1C800] =	vst v63  }
0x89: {  	_ =	swait.ge [sflag:s20], $0x4000  }
0x8a: {  	[sflag:s20] =	ssyncset.done $0x0  }
0x8b: {  	[sflag:s20] =	ssyncadd.s32 $0xFFFFC000  }
0x8c: {  	[spmem:s2] =	stream.indirect.scatter.add.f32 [tilespmem:s18], [sflag:$0x3], $0x80, s26, s17, $0xb8;
	[tilespmem:$0x1C800] =	vst v63  }
0x8d: {  	_ =	swait.ge [sflag:s21], $0x4000  }
0x8e: {  	[sflag:s21] =	ssyncset.done $0x0  }
0x8f: {  	[sflag:s21] =	ssyncadd.s32 $0xFFFFC000  }
0x90: {  	[tilespmem:s18], [sflag:$0x1] =	stream.indirect.gather [hbm4b:s4+s17], $0x80, s28, s17, $0xb8;
	[tilespmem:$0x1C800] =	vst v63  }
0x91: {  	_ =	swait.ge [sflag:s22], $0x4000  }
0x92: {  	[sflag:s22] =	ssyncset.done $0x0  }
0x93: {  	[sflag:s22] =	ssyncadd.s32 $0xFFFFC000  }
0x94: {  	[spmem:s2] =	stream.indirect.scatter.add.f32 [tilespmem:s19], [sflag:$0x4], $0x80, s29, s17, $0xb8;
	[tilespmem:$0x1C800] =	vst v63  }
0x95: {  	_ =	swait.ge [sflag:s24], $0x4000  }
0x96: {  	[sflag:s24] =	ssyncset.done $0x0  }
0x97: {  	[sflag:s24] =	ssyncadd.s32 $0xFFFFC000  }
0x98: {  	[tilespmem:s19], [sflag:$0x2] =	stream.indirect.gather [hbm4b:s4+s17], $0x80, s30, s17, $0xb8;
	[tilespmem:$0x1C800] =	vst v63  }
0x99: {  	_ =	swait.ge [sflag:s20], $0x4000  }
0x9a: {  	[sflag:s20] =	ssyncset.done $0x0  }
0x9b: {  	[sflag:s20] =	ssyncadd.s32 $0xFFFFC000  }
0x9c: {  	[spmem:s2] =	stream.indirect.scatter.add.f32 [tilespmem:s18], [sflag:$0x3], $0x80, s31, s17, $0xb8;
	[tilespmem:$0x1C800] =	vst v63  }
0x9d: {  	_ =	swait.ge [sflag:s21], $0x4000  }
0x9e: {  	[sflag:s21] =	ssyncset.done $0x0  }
0x9f: {  	[sflag:s21] =	ssyncadd.s32 $0xFFFFC000  }
0xa0: {  	[tilespmem:s18], [sflag:$0x1] =	stream.indirect.gather [hbm4b:s4+s17], $0x80, s0, s17, $0xb8;
	[tilespmem:$0x1C800] =	vst v63  }
0xa1: {  	_ =	swait.ge [sflag:s22], $0x4000  }
0xa2: {  	[sflag:s22] =	ssyncset.done $0x0  }
0xa3: {  	[sflag:s22] =	ssyncadd.s32 $0xFFFFC000  }
0xa4: {  	[spmem:s2] =	stream.indirect.scatter.add.f32 [tilespmem:s19], [sflag:$0x4], $0x80, s1, s17, $0xb8;
	[tilespmem:$0x1C800] =	vst v63  }
0xa5: {  	_ =	swait.ge [sflag:s24], $0x4000  }
0xa6: {  	[sflag:s24] =	ssyncset.done $0x0  }
0xa7: {  	[sflag:s24] =	ssyncadd.s32 $0xFFFFC000  }
0xa8: {  	[tilespmem:s19], [sflag:$0x2] =	stream.indirect.gather [hbm4b:s4+s17], $0x80, s7, s17, $0xb8;
	[tilespmem:$0x1C800] =	vst v63  }
0xa9: {  	_ =	swait.ge [sflag:s20], $0x4000  }
0xaa: {  	[sflag:s20] =	ssyncset.done $0x0  }
0xab: {  	[sflag:s20] =	ssyncadd.s32 $0xFFFFC000  }
0xac: {  	[spmem:s2] =	stream.indirect.scatter.add.f32 [tilespmem:s18], [sflag:$0x3], $0x80, s8, s17, $0xb8;
	[tilespmem:$0x1C800] =	vst v63  }
0xad: {  	_ =	swait.ge [sflag:s21], $0x4000  }
0xae: {  	[sflag:s21] =	ssyncset.done $0x0  }
0xaf: {  	[sflag:s21] =	ssyncadd.s32 $0xFFFFC000  }
0xb0: {  	p0 =	sne.s32 s6, $0x1;
	_ =	swait.ge [sflag:s22], $0x4000  }
.Ltmp1:
0xb1: {  	[sflag:s22] =	ssyncset.done $0x0;
	(pc) =	sbr.rel @p0 .LBB2_2-.Ltmp1, $4  }
0xb2: {  	[sflag:s22] =	ssyncadd.s32 $0xFFFFC000  }
0xb3: {  	[spmem:s2] =	stream.indirect.scatter.add.f32 [tilespmem:s19], [sflag:$0x4], $0x80, s9, s17, $0xb8;
	[tilespmem:$0x1C800] =	vst v63  }
0xb4: {  	_ =	swait.ge [sflag:s24], $0x4000  }
0xb5: {  	s6 =	sadd.s32 $0xFFFFFFFF, s6;
	[sflag:s24] =	ssyncset.done $0x0  }
.LBB2_3:
0xb6: {  	[sflag:s24] =	ssyncadd.s32 $0xFFFFC000  }
0xb7: {  	[bflag:$0x0] =	sbarrier.arrive $0xFFFF  }
0xb8: {  	s6 =	rddreg [dreg:$0x7]  }
0xb9: {  	s11 =	rddreg [dreg:$0xa];
	s6 =	sor.u32 $0x1C06, s6  }
0xba: {  	[hbm:s11], [sflag:s6] =	dma.local [spmem:s14], $0x2800  }
0xbb: {  	_ =	swait.ge [sflag:s15], $0x2800  }
0xbc: {  	s12 =	smov.u32 s14;
	s10 =	sadd.s32 $0x1, s10;
	s14 =	rddreg [dreg:$0xb]  }
0xbd: {  	p0 =	sne.s32 s10, s14  }
.Ltmp2:
0xbe: {  	_ = 	snop;
	(pc) =	sbr.rel @p0 .LBB2_1-.Ltmp2, $3  }
0xbf: {  	_ =	sdelay $0x1  }
0xc0: {  	[sflag:s15] =	ssyncset.done $0x0  }
0xc1: {  	[sflag:s15] =	ssyncadd.s32 $0xFFFFD800  }
0xc2: {  	_ =	sfence.sel $0x180000  }
0xc3: {  	[bflag:$0x0] =	sbarrier.arrive $0xFFFF  }
0xc4: {  	_ =	strace $0x9000004D  }
0xc5: {  	s0 =	stileid.u32;
	[bflag:$0x2] =	sbarrier.arrive $0xFFFF  }
0xc6: {  	p0 =	sne.s32 s0, $0x0;
	s0 =	rddreg [dreg:$0x4]  }
0xc7: {  	s0 =	sadd.s32 @!p0 $0x100000, s0  }
0xc8: {  	[sflag:s0] =	ssyncadd.tile.s32 @!p0 $0x1;
	_ =	shalt  }
.Lfunc_end2:
_tile_overlayer_lowered:
.L_overlay_start_2:
0xc9: {  	(tag) =	ssettag $0x2  }
0xca: {  	s0 =	rddreg [dreg:$0x0];
	s2 =	stileid.u32  }
0xcb: {  	s1 =	rddreg [dreg:$0x1];
	p0 =	sne.s32 s2, $0x0  }
0xcc: {  	s3 =	rddreg [dreg:$0x2];
	[bflag:$0x3] =	sbarrier.arrive $0xFFFF;
	s2 =	simm.s32 @!p0 $0x1C06  }
0xcd: {  	[timem:s3], [sflag:s2] =	dma.local @!p0 [hbm:s0], s1  }
0xce: {  	s0 =	simm.s32 @!p0 $0x6  }
0xcf: {  	_ =	swait.ge @!p0 [sflag:s0], s1  }
0xd0: {  	s1 =	ssub.s32 @!p0 $0x0, s1;
	[sflag:s0] =	ssyncset.done @!p0 $0x0  }
0xd1: {  	[sflag:s0] =	ssyncadd.s32 @!p0 s1  }
0xd2: {  	[bflag:$0x3] =	sbarrier.arrive $0xFFFF  }
0xd3: {  	_ =	shalt  }

// kernel: kernel.8.cloned.1.call-start
scs
__scs_entry_jumppad:
0x0: {  	(pc) =	sbr.rel $0x88, $3  }
0x1: {  	(tag) =	ssettag $0x0;
	lr =	simm.s32 $0x1  }
0x2: {  	[smem:$0x3F99] =	sst lr;
	_ =	strace $0xD0000000  }
0x3: {  	_ = 	snop  }
0x4: {  	_ = 	snop  }
0x5: {  	_ = 	snop  }
0x6: {  	_ = 	snop  }
0x7: {  	_ = 	snop  }
__scs_overlays_trampoline_lowered:
0x8: {  	[smem:$0x3FA8] =	sst s0  }
0x9: {  	[smem:$0x3FA9] =	sst s1  }
0xa: {  	[smem:$0x3FAA] =	sst s2  }
0xb: {  	[smem:$0x3FAB] =	sst s3  }
0xc: {  	[smem:$0x3FAC] =	sst s4  }
0xd: {  	[smem:$0x3FAD] =	sst s5  }
0xe: {  	[smem:$0x3FAE] =	sst s6  }
0xf: {  	[smem:$0x3FAF] =	sst s7  }
0x10: {  	[smem:$0x3FB0] =	sst s8  }
0x11: {  	[smem:$0x3FB1] =	sst s9;
	s0 =	simm.s32 @!p0 $0x0  }
0x12: {  	s1 =	sld [smem:$0x3F97];
	s0 =	simm.s32 @p0 $0x1  }
0x13: {  	[smem:$0x3FB2] =	sst s0;
	s0 =	simm.s32 @!p1 $0x0  }
0x14: {  	s2 =	sld [smem:$0x3F96];
	s0 =	simm.s32 @p1 $0x1  }
0x15: {  	[smem:$0x3FB3] =	sst s0;
	s0 =	simm.s32 @!p2 $0x0  }
0x16: {  	s3 =	sld [smem:$0x3FDB];
	s0 =	simm.s32 @p2 $0x1  }
0x17: {  	s4 =	simm.s32 $0x1BF5;
	[smem:$0x3FB5] =	sst s0  }
0x18: {  	s0 =	sld [smem:$0x3F98];
	_ =	swait.ge [sflag:s4], $0x0  }
0x19: {  	s7 =	sld [smem:$0x3F99]  }
0x1a: {  	s8 =	sadd.s32 $0xFFFFE003, lr  }
0x1b: {  	s9 =	sadd.s32 $0xFFFFFEF7, lr;
	s5 =	simm.s32 $0xFFFFFFFF;
	p2 =	slt.u32 s8, $0xFFFFF086  }
0x1c: {  	p1 =	slt.u32 s9, $0xF7A;
	s5 =	simm.s32 @!p2 $0x0  }
0x1d: {  	s5 =	simm.s32 @p1 $0x1;
	p0 =	seq.s32 s7, s2  }
0x1e: {  	s7 =	smul.u32 @!p0 $0xF7A, s2;
	p2 =	seq.s32 @!p0 s5, $0x0  }
0x1f: {  	s9 =	smul.u32 $0xF7A, s1;
	s8 =	simm.s32 @!p0 $0x1BF5;
	p2 =	por !p2, p0  }
0x20: {  	[sflag:s8] =	ssyncset.s32 @!p0 $0xFFFFF086;
	s6 =	sadd.s32 @!p0 s3, s7;
	s7 =	simm.s32 @!p0 $0x108  }
0x21: {  	s3 =	sadd.s32 s3, s9;
	s6 =	sadd.s32 @!p0 $0x88, s6;
	s7 =	simm.s32 @p2 $0x1082  }
0x22: {  	[simem:s7], [sflag:s8] =	dma.local @!p0 [hbm:s6], $0xF7A  }
0x23: {  	s9 =	sor.u32 $0xD0000000, s2;
	s6 =	simm.s32 $0x108;
	_ =	swait.ge @!p0 [sflag:s8], $0x0  }
0x24: {  	s3 =	sadd.s32 $0x88, s3;
	s6 =	simm.s32 @!p1 $0x1082;
	[sflag:s4] =	ssyncset.s32 $0xFFFFF086  }
0x25: {  	[simem:s6], [sflag:s4] =	dma.local [hbm:s3], $0xF7A  }
0x26: {  	[smem:$0x3F99] =	sst s1;
	(tag) =	ssettag s2;
	_ =	strace s9  }
0x27: {  	s1 =	sld [smem:$0x3FA9]  }
0x28: {  	s2 =	sld [smem:$0x3FAA]  }
0x29: {  	s4 =	sld [smem:$0x3FAC]  }
0x2a: {  	p0 =	seq.s32 s5, $0x0;
	s5 =	sld [smem:$0x3FAD]  }
0x2b: {  	s6 =	sld [smem:$0x3FAE]  }
0x2c: {  	s7 =	sld [smem:$0x3FAF]  }
0x2d: {  	s3 =	simm.s32 $0x108;
	s8 =	sld [smem:$0x3FB0]  }
0x2e: {  	s3 =	simm.s32 @!p0 $0x1082;
	s9 =	sld [smem:$0x3FB1]  }
0x2f: {  	lr =	sadd.s32 s0, s3;
	s0 =	sld [smem:$0x3FA8]  }
0x30: {  	s3 =	sld [smem:$0x3FAB]  }
0x31: {  	[smem:$0x3FB4] =	sst s10  }
0x32: {  	s10 =	sld [smem:$0x3FB2];
	_ =	sdelay $0x3  }
0x33: {  	p0 =	seq.s32 s10, $0x1;
	s10 =	sld [smem:$0x3FB4];
	_ =	sdelay $0x3  }
0x34: {  	[smem:$0x3FB4] =	sst s10  }
0x35: {  	s10 =	sld [smem:$0x3FB3];
	_ =	sdelay $0x3  }
0x36: {  	p1 =	seq.s32 s10, $0x1;
	s10 =	sld [smem:$0x3FB4];
	_ =	sdelay $0x3  }
0x37: {  	[smem:$0x3FB4] =	sst s10  }
0x38: {  	s10 =	sld [smem:$0x3FB5]  }
0x39: {  	_ = 	snop;
	(pc) =	sbr.ind lr, $3  }
0x3a: {  	_ = 	snop  }
0x3b: {  	_ = 	snop  }
0x3c: {  	p2 =	seq.s32 s10, $0x1;
	s10 =	sld [smem:$0x3FB4]  }
0x3d: {  	_ =	shalt  }
0x3e: {  	_ =	shalt  }
0x3f: {  	_ =	shalt  }
0x40: {  	_ =	shalt  }
0x41: {  	_ =	shalt  }
0x42: {  	_ =	shalt  }
0x43: {  	_ =	shalt  }
0x44: {  	_ =	shalt  }
0x45: {  	_ =	shalt  }
0x46: {  	_ =	shalt  }
0x47: {  	_ =	shalt  }
0x48: {  	_ =	shalt  }
0x49: {  	_ =	shalt  }
0x4a: {  	_ =	shalt  }
0x4b: {  	_ =	shalt  }
0x4c: {  	_ =	shalt  }
0x4d: {  	_ =	shalt  }
0x4e: {  	_ =	shalt  }
0x4f: {  	_ =	shalt  }
0x50: {  	_ =	shalt  }
0x51: {  	_ =	shalt  }
0x52: {  	_ =	shalt  }
0x53: {  	_ =	shalt  }
0x54: {  	_ =	shalt  }
0x55: {  	_ =	shalt  }
0x56: {  	_ =	shalt  }
0x57: {  	_ =	shalt  }
0x58: {  	_ =	shalt  }
0x59: {  	_ =	shalt  }
0x5a: {  	_ =	shalt  }
0x5b: {  	_ =	shalt  }
0x5c: {  	_ =	shalt  }
0x5d: {  	_ =	shalt  }
0x5e: {  	_ =	shalt  }
0x5f: {  	_ =	shalt  }
0x60: {  	_ =	shalt  }
0x61: {  	_ =	shalt  }
0x62: {  	_ =	shalt  }
0x63: {  	_ =	shalt  }
0x64: {  	_ =	shalt  }
0x65: {  	_ =	shalt  }
0x66: {  	_ =	shalt  }
0x67: {  	_ =	shalt  }
0x68: {  	_ =	shalt  }
0x69: {  	_ =	shalt  }
0x6a: {  	_ =	shalt  }
0x6b: {  	_ =	shalt  }
0x6c: {  	_ =	shalt  }
0x6d: {  	_ =	shalt  }
0x6e: {  	_ =	shalt  }
0x6f: {  	_ =	shalt  }
0x70: {  	_ =	shalt  }
0x71: {  	_ =	shalt  }
0x72: {  	_ =	shalt  }
0x73: {  	_ =	shalt  }
0x74: {  	_ =	shalt  }
0x75: {  	_ =	shalt  }
0x76: {  	_ =	shalt  }
0x77: {  	_ =	shalt  }
0x78: {  	_ =	shalt  }
0x79: {  	_ =	shalt  }
0x7a: {  	_ =	shalt  }
0x7b: {  	_ =	shalt  }
0x7c: {  	_ =	shalt  }
0x7d: {  	_ =	shalt  }
0x7e: {  	_ =	shalt  }
0x7f: {  	_ =	shalt  }
0x80: {  	_ =	shalt  }
0x81: {  	_ =	shalt  }
0x82: {  	_ =	shalt  }
0x83: {  	_ =	shalt  }
0x84: {  	_ =	shalt  }
0x85: {  	_ =	shalt  }
0x86: {  	_ =	shalt  }
0x87: {  	_ =	shalt  }
.Lfunc_end0:
.L_simem_size_0:
called_computation_lowered:
.L_overlay_start_0:
0x88: {  	s2 =	sld [smem:$0x3FD9]  }
0x89: {  	s3 =	sld [smem:$0x3FFE];
	_ =	sdelay $0x1  }
0x8a: {  	s1 =	srdreg.scid  }
0x8b: {  	s0 =	sand.u32 $0x1, s1  }
0x8c: {  	s14 =	sshll.u32 s0, $0xA;
	s2 =	sadd.s32 s3, s2  }
0x8d: {  	s2 =	sadd.s32 s2, s14  }
0x8e: {  	[smem:$0x3FC0] =	sst s2  }
0x8f: {  	_ = 	snop  }
0x90: {  	s2 =	sld [smem:$0x3FD0];
	_ =	sdelay $0x2  }
0x91: {  	s15 =	simm.s32 $0xA;
	s4 =	simm.s32 $0x10  }
0x92: {  	[smem:s4], [sflag:s15] =	dma.local [hbm:s2], $0x1  }
0x93: {  	_ =	swait.eq [sflag:s15], $0x1  }
0x94: {  	[sflag:s15] =	ssyncset.done $0x0  }
0x95: {  	[sflag:s15] =	ssyncadd.s32 $0xFFFFFFFF  }
0x96: {  	s16 =	sld [smem:$0x11];
	(tm) =	ssettm $0x1  }
0x97: {  	s17 =	sld [smem:$0x3FFB];
	_ =	sdelay $0x3  }
0x98: {  	_ =	strace s17  }
0x99: {  	s3 =	sld [smem:$0x3FFC];
	_ =	sdelay $0x3  }
0x9a: {  	_ =	strace s3  }
0x9b: {  	s3 =	sld [smem:$0x3FFD];
	_ =	sdelay $0x3  }
0x9c: {  	_ =	strace s3  }
0x9d: {  	_ =	strace $0x8FFFFFFF  }
0x9e: {  	s18 =	sld [smem:$0x3FDB];
	_ =	sdelay $0x1  }
0x9f: {  	s19 =	simm.s32 $_scs_section_size  }
0xa0: {  	s5 =	simm.s32 $_size__tile_overlayer_lowered;
	s6 =	simm.s32 $_tile_overlayer_lowered  }
0xa1: {  	s22 =	simm.s32 $0x1BFF;
	s21 =	sshll.u32 s6, $0x1;
	s3 =	sadd.s32 s19, s18  }
0xa2: {  	s7 =	simm.s32 $0x0;
	s20 =	sshll.u32 s5, $0x1;
	s5 =	sadd.s32 s21, s3  }
0xa3: {  	[timem:s7], [sflag:s22] =	dma.local [hbm:s5], s20  }
0xa4: {  	_ =	swait.ge [sflag:s22], s20  }
0xa5: {  	s4 =	ssub.s32 $0x0, s20;
	[sflag:s22] =	ssyncset.done $0x0  }
0xa6: {  	[sflag:s22] =	ssyncadd.s32 s4;
	_ =	sdelay $0x1  }
0xa7: {  	s23 =	simm.s32 $0x1B8B  }
0xa8: {  	_ =	swait.ge [sflag:s23], $0x1  }
0xa9: {  	[sflag:s23] =	ssyncset.done $0x0  }
0xaa: {  	s25 =	simm.s32 $0x1B8E;
	s24 =	sld [smem:$0x3FFE];
	[sflag:s23] =	ssyncadd.s32 $0xFFFFFFFF  }
0xab: {  	s26 =	simm.s32 $execute0_lowered;
	[smem:$0x3FD2] =	sst s25  }
0xac: {  	s5 =	sshll.u32 s26, $0x1;
	_ =	strace $0x80000046;
	[dreg:$0x1] =	wrdreg $0xFFFFFFFF  }
0xad: {  	s28 =	simm.s32 $_size_execute0_lowered;
	s3 =	sadd.s32 s3, s5;
	[dreg:$0x0] =	wrdreg $0x0  }
0xae: {  	s5 =	sshll.u32 s28, $0x1;
	[dreg:$0x2] =	wrdreg s3  }
0xaf: {  	[dreg:$0x3] =	wrdreg s5  }
0xb0: {  	[dreg:$0x4] =	wrdreg $0xC0  }
0xb1: {  	_ =	task [dreg:s7], $0x5FFFF  }
0xb2: {  	[dreg:$0x1] =	wrdreg $0xFFFFFFFF  }
0xb3: {  	[dreg:$0x0] =	wrdreg $0x60  }
0xb4: {  	[dreg:$0x2] =	wrdreg s16  }
0xb5: {  	[dreg:$0x3] =	wrdreg s24  }
0xb6: {  	[dreg:$0x4] =	wrdreg $0x28800  }
0xb7: {  	[dreg:$0x5] =	wrdreg $0x9  }
0xb8: {  	_ =	task.clear_ibuf [dreg:s7], $0x6FFFF;
	_ =	strace $0x90000046  }
0xb9: {  	s29 =	simm.s32 $0x9;
	_ =	strace $0x80000048  }
0xba: {  	_ =	swait.ge [sflag:s29], $0x1  }
0xbb: {  	[sflag:s29] =	ssyncadd.s32 $0xFFFFFFFF  }
0xbc: {  	_ =	strace $0x90000048  }
0xbd: {  	_ =	sfence  }
0xbe: {  	s30 =	sld [smem:$0x0];
	_ =	sdelay $0x2  }
0xbf: {  	s31 =	sshll.u32 s1, $0xD;
	s1 =	sshrl.u32 s1, $0x2  }
0xc0: {  	s3 =	sand.u32 $0x4000, s31;
	s1 =	sadd.s32 s1, s30  }
0xc1: {  	s0 =	sor.u32 s3, s0;
	s1 =	sshll.u32 s1, $0x11  }
0xc2: {  	s0 =	sor.u32 s1, s0  }
0xc3: {  	s0 =	sadd.s32 $0x8F2B, s0  }
0xc4: {  	[sflag:s0] =	ssyncadd.remote.s32 $0x1  }
0xc5: {  	_ =	sfence.sel $0xFFFF  }
0xc6: {  	[dreg:$0x0] =	wrdreg $0xFFFFFFFF;
	(pc) =	sbr.abs _section_cstart, $3  }
0xc7: {  	[dreg:$0x1] =	wrdreg $0xFFFFFFFF  }
0xc8: {  	_ =	task.clear_ibuf [dreg:s7], $0x2FFFF;
	_ =	strace $0x9FFFFFFF  }
0xc9: {  	(tm) =	ssettm $0x7FFFFFFF  }
tec
execute0_lowered:
.L_overlay_start_1:
0x0: {  	(tag) =	ssettag $0x1  }
0x1: {  	s6 =	rddreg [dreg:$0x0]  }
0x2: {  	s4 =	rddreg [dreg:$0x1]  }
0x3: {  	s2 =	rddreg [dreg:$0x2]  }
0x4: {  	s1 =	stileid.u32;
	s0 =	rddreg [dreg:$0x3];
	s3 =	simm.s32 $0x0  }
0x5: {  	s7 =	srdreg.scid;
	s13 =	simm.s32 $0x1;
	s14 =	simm.s32 $0x20  }
0x6: {  	s15 =	simm.s32 $0x10;
	s16 =	simm.s32 $0x0;
	s5 =	smul.u32 $0x280, s1  }
0x7: {  	[smem:$0x7FF] =	sst s3;
	s7 =	sand.u32 $0x1, s7;
	s9 =	smul.u32 $0x500, s1  }
0x8: {  	s11 =	sshll.u32 s1, $0x1;
	s31 =	sshll.u32 s1, $0x6;
	_ =	strace $0x80000047  }
0x9: {  	s10 =	sshll.u32 s7, $0x7;
	s29 =	ssub.s32 $0x2, s7;
	s7 =	sor.u32 s7, s11  }
0xa: {  	s11 =	simm.s32 $0x80;
	s8 =	sshrl.u32 s5, $0x3;
	s9 =	sor.u32 s10, s9  }
0xb: {  	s12 =	sshrl.u32 s29, $0x1;
	s7 =	smul.u32 $0x500, s7;
	s30 =	sadd.s32 s5, s2  }
0xc: {  	s5 =	sor.u32 $0x1C02, s31;
	s8 =	sadd.s32 s8, s4;
	s9 =	sshrl.u32 s9, $0x3  }
0xd: {  	s10 =	ssub.s32 s29, s12;
	s12 =	simm.s32 $0x2800;
	s9 =	sadd.s32 s9, s4  }
0xe: {  	s4 =	sadd.s32 $0x3200, s8;
	s6 =	sadd.s32 s6, s7;
	s8 =	smax.u32 s10, $0x1  }
0xf: {  	v0 =	vimm.f32 $1.000000000e+00;
	s10 =	simm.s32 $0x2;
	s7 =	sadd.s32 $0x3800, s9;
	s9 =	sshrl.u32 s30, $0x3  }
.LBB2_1:
0x10: {  	[spmem:s9], [sflag:s5] =	dma.local [hbm:s4], $0x50  }
0x11: {  	_ =	swait.ge [sflag:s10], $0x50  }
0x12: {  	[sflag:s10] =	ssyncset.done $0x0  }
0x13: {  	[sflag:s10] =	ssyncadd.s32 $0xFFFFFFB0  }
0x14: {  	[tilespmem:s3], [sflag:$0x2] =	stream.linear.gather [hbm4b:s6+s3], $0x2800, $0x38;
	[tilespmem:$0x2B00] =	vst v63  }
0x15: {  	_ =	swait.ge [sflag:s10], $0x2800  }
0x16: {  	[sflag:s10] =	ssyncset.done $0x0  }
0x17: {  	[sflag:s10] =	ssyncadd.s32 $0xFFFFD800  }
0x18: {  	[tilespmem:$0x2800] =	vst v0  }
0x19: {  	[tilespmem:$0x2810] =	vst v0  }
0x1a: {  	[tilespmem:$0x2820] =	vst v0  }
0x1b: {  	[tilespmem:$0x2830] =	vst v0  }
0x1c: {  	[tilespmem:$0x2840] =	vst v0  }
0x1d: {  	[tilespmem:$0x2850] =	vst v0  }
0x1e: {  	[tilespmem:$0x2860] =	vst v0  }
0x1f: {  	[tilespmem:$0x2870] =	vst v0  }
0x20: {  	s17 =	simm.s32 $0x0;
	[bflag:$0x0] =	sbarrier.arrive $0xFFFF  }
0x21: {  	[spmem:s2] =	stream.indirect.scatter.add.f32 [tilespmem:s12], [sflag:$0x1], $0x1, s17, s11, $0xb8;
	[tilespmem:$0x2B00] =	vst v63  }
0x22: {  	_ =	swait.ge [sflag:s13], $0x80  }
0x23: {  	s17 =	simm.s32 $0x200;
	[sflag:s13] =	ssyncset.done $0x0  }
.LBB2_2:
0x24: {  	s18 =	sshra.s32 s17, $0x2;
	[sflag:s13] =	ssyncadd.s32 $0xFFFFFF80;
	p0 =	sne.s32 s17, $0x9E00  }
0x25: {  	[spmem:s2] =	stream.indirect.scatter.add.f32 [tilespmem:s12], [sflag:$0x1], $0x1, s18, s11, $0xb8;
	[tilespmem:$0x2B00] =	vst v63  }
.Ltmp0:
0x26: {  	_ = 	snop;
	(pc) =	sbr.rel @p0 .LBB2_2-.Ltmp0, $4  }
0x27: {  	_ = 	snop  }
0x28: {  	s17 =	sadd.s32 $0x200, s17  }
0x29: {  	_ =	swait.ge [sflag:s13], $0x80  }
0x2a: {  	[sflag:s13] =	ssyncset.done $0x0  }
0x2b: {  	s16 =	sadd.s32 $0x1, s16  }
0x2c: {  	[sflag:s13] =	ssyncadd.s32 $0xFFFFFF80;
	p0 =	sne.s32 s16, s8  }
.Ltmp1:
0x2d: {  	[bflag:$0x0] =	sbarrier.arrive $0xFFFF;
	(pc) =	sbr.rel @p0 .LBB2_1-.Ltmp1, $4  }
0x2e: {  	[hbm:s7@s14], [sflag:s5] =	dma.strided [spmem:s9@s15], $0x50, s13, $0x10   }
0x2f: {  	_ =	swait.ge [sflag:s10], $0x50  }
0x30: {  	[sflag:s10] =	ssyncset.done $0x0  }
0x31: {  	[sflag:s10] =	ssyncadd.s32 $0xFFFFFFB0  }
0x32: {  	_ =	sfence.sel $0x180000  }
0x33: {  	[bflag:$0x0] =	sbarrier.arrive $0xFFFF  }
0x34: {  	p0 =	sne.s32 s1, $0x0;
	_ =	strace $0x90000047  }
0x35: {  	s0 =	sadd.s32 @!p0 $0x100000, s0;
	[bflag:$0x2] =	sbarrier.arrive $0xFFFF  }
0x36: {  	[sflag:s0] =	ssyncadd.tile.s32 @!p0 $0x1;
	_ =	shalt  }
.Lfunc_end2:
_tile_overlayer_lowered:
.L_overlay_start_2:
0x37: {  	(tag) =	ssettag $0x2  }
0x38: {  	s0 =	rddreg [dreg:$0x0];
	s2 =	stileid.u32  }
0x39: {  	s1 =	rddreg [dreg:$0x1];
	p0 =	sne.s32 s2, $0x0  }
0x3a: {  	s3 =	rddreg [dreg:$0x2];
	[bflag:$0x3] =	sbarrier.arrive $0xFFFF;
	s2 =	simm.s32 @!p0 $0x1C02  }
0x3b: {  	[timem:s3], [sflag:s2] =	dma.local @!p0 [hbm:s0], s1  }
0x3c: {  	s0 =	simm.s32 @!p0 $0x2  }
0x3d: {  	_ =	swait.ge @!p0 [sflag:s0], s1  }
0x3e: {  	s1 =	ssub.s32 @!p0 $0x0, s1;
	[sflag:s0] =	ssyncset.done @!p0 $0x0  }
0x3f: {  	[sflag:s0] =	ssyncadd.s32 @!p0 s1  }
0x40: {  	[bflag:$0x3] =	sbarrier.arrive $0xFFFF  }
0x41: {  	_ =	shalt  }

</sc_bundles>
